<compile_context>
chip_gen: v7x
topology: tpu7x:2x2x1
jax: 0.10.2.dev20260603
libtpu: 0.0.44.dev20260713+nightly
codegen_flags: <defaults>
</compile_context>

<pallas_src>
import functools

import jax
import jax.numpy as jnp
from jax import lax
from jax.experimental import pallas as pl
from jax.experimental.pallas import tpu as pltpu
from jax.experimental.pallas import tpu_sc as plsc

_NC, _NS, _L = 2, 16, 16
_NW = _NC * _NS
_NIMG, _NROW, _COLS = 16, 512, 512
_BAND = 16
_NBUF = 2
_NBAND = _NIMG * _NROW // _BAND // _NW
_CH = _BAND * _COLS
_NB = 1024
_JB = 2 * _NB
_NB_LOG = _NB.bit_length() - 1
_BIN_SH = 32 - _NB_LOG
_LAB_SH = 23 - _NB_LOG

_mesh = plsc.VectorSubcoreMesh(
    core_axis_name="c", subcore_axis_name="s",
    num_cores=_NC, num_subcores=_NS)


@functools.partial(
    pl.kernel,
    out_type=jax.ShapeDtypeStruct((_NW * _L, _JB), jnp.float32),
    mesh=_mesh,
    compiler_params=pltpu.CompilerParams(
        needs_layout_passes=False, use_tc_tiling_on_sc=True),
    scratch_types=[
        pltpu.VMEM((_NBUF, _BAND, _COLS), jnp.float32),
        pltpu.VMEM((_NBUF, _BAND, _COLS), jnp.float32),
        pltpu.VMEM((_L * _JB,), jnp.float32),
    ] + [pltpu.SemaphoreType.DMA] * _NBUF,
)
def _sc_hist(sal_hbm, gt_hbm, out_hbm, vbuf, tbuf, hist, *sems):
    wid = lax.axis_index("s") * _NC + lax.axis_index("c")
    base = wid * _NBAND
    zeros = jnp.zeros((_L,), jnp.float32)
    ones = jnp.ones((_L,), jnp.float32)
    laneoff = lax.iota(jnp.int32, _L) * _JB

    @plsc.parallel_loop(0, (_L * _JB) // _L, 1, unroll=8)
    def _(g):
        hist[pl.ds(g * _L, _L)] = zeros

    _BPI = _NROW // _BAND
    _BPI_SH = _BPI.bit_length() - 1
    _BAND_SH = _BAND.bit_length() - 1

    def band_slice(c):
        band = base + c
        img = band >> _BPI_SH
        r0 = pl.multiple_of((band & (_BPI - 1)) << _BAND_SH, _BAND)
        return (img, pl.ds(r0, _BAND), slice(None))

    def start(slot, c):
        ix = band_slice(c)
        pltpu.make_async_copy(
            sal_hbm.at[ix], vbuf.at[slot], sems[slot]).start()
        pltpu.make_async_copy(
            gt_hbm.at[ix], tbuf.at[slot], sems[slot]).start()

    def wait(slot, c):
        ix = band_slice(c)
        pltpu.make_async_copy(
            sal_hbm.at[ix], vbuf.at[slot], sems[slot]).wait()
        pltpu.make_async_copy(
            gt_hbm.at[ix], tbuf.at[slot], sems[slot]).wait()

    def compute(slot):
        @plsc.parallel_loop(0, _CH // _L, 1, unroll=8)
        def _(i):
            v = vbuf[slot, i >> 5, pl.ds((i & 31) * _L, _L)]
            t = tbuf[slot, i >> 5, pl.ds((i & 31) * _L, _L)]
            u = plsc.bitcast(v, jnp.uint32)
            tu = plsc.bitcast(t, jnp.uint32)
            binr = (u >> _BIN_SH).astype(jnp.int32)
            lab = ((tu >> _LAB_SH) & _NB).astype(jnp.int32)
            plsc.addupdate_scatter(hist, [laneoff + binr + lab], ones)

    for s in range(_NBUF):
        start(s, s)

    def ring(g, _):
        c0 = _NBUF * g

        def step(slot, c):
            wait(slot, c)
            compute(slot)

            @pl.when(c + _NBUF < _NBAND)
            def _():
                start(slot, c + _NBUF)

        for s in range(_NBUF):
            step(s, c0 + s)
        return 0
    lax.fori_loop(0, _NBAND // _NBUF, ring, 0)

    copies = [
        pltpu.make_async_copy(
            hist.at[pl.ds(l * _JB, _JB)], out_hbm.at[wid * _L + l],
            sems[0])
        for l in range(_L)
    ]
    for c in copies:
        c.start()
    for c in copies:
        c.wait()


def _tc_body(h_ref, o_ref):
    hs = jnp.sum(h_ref[...], axis=0, keepdims=True)
    neg = hs[:, :_NB]
    pos = hs[:, _NB:]
    ir = lax.broadcasted_iota(jnp.int32, (_NB, 1), 0)
    ic = lax.broadcasted_iota(jnp.int32, (1, _NB), 1)
    rr = jnp.where(ir >= _NB // 2, (_NB - 1) - ir, ir + _NB // 2)
    rc = jnp.where(ic >= _NB // 2, (_NB - 1) - ic, ic + _NB // 2)
    a = jnp.where(rc > rr, 1.0, jnp.where(rc == rr, 0.5, 0.0))
    t1 = jnp.dot(neg, a, preferred_element_type=jnp.float32,
                 precision=lax.Precision.HIGHEST)
    u = jnp.sum(t1 * pos, keepdims=True)
    p_tot = jnp.sum(pos, keepdims=True)
    n_tot = jnp.sum(neg, keepdims=True)
    o_ref[...] = u / (p_tot * n_tot)


_tc_reduce = pl.pallas_call(
    _tc_body,
    out_shape=jax.ShapeDtypeStruct((1, 1), jnp.float32),
)


def kernel(saliency_map, ground_truth):
    hist = _sc_hist(saliency_map, ground_truth)
    auc = _tc_reduce(hist)
    return auc[0, 0]

# --- scband reference (transcript-rebuilt; emitter-appended) ---
"""Pipeline reference for scband-roc-auc-metric-1434519077465 (READ-ONLY COPY).

The authoritative reference and input builder live on the scoring server;
editing this copy changes nothing except your own understanding.
"""

import jax, jax.numpy as jnp
import numpy as np


def setup_inputs(seed: int = 0) -> dict:
    key = jax.random.key(seed)
    k1, k2 = jax.random.split(key)
    saliency_map = jax.random.normal(k1, (16, 512, 512), dtype=jnp.float32)
    ground_truth = jax.random.randint(k2, (16, 512, 512), 0, 2).astype(jnp.float32)
    return {"saliency_map": saliency_map, "ground_truth": ground_truth}


def reference(saliency_map, ground_truth):
    saliency_map_flat = saliency_map.reshape(-1)
    ground_truth_flat = ground_truth.reshape(-1)
    # torch.argsort(..., descending=True)
    sorted_indices = jnp.argsort(-saliency_map_flat)
    sorted_truth = ground_truth_flat[sorted_indices]
    tpr = jnp.cumsum(sorted_truth) / jnp.sum(sorted_truth)
    fpr = jnp.cumsum(1.0 - sorted_truth) / jnp.sum(1.0 - sorted_truth)
    # torch.trapz(tpr, fpr): integrate tpr over fpr (trapezoidal rule)
    auc = jnp.sum((fpr[1:] - fpr[:-1]) * (tpr[1:] + tpr[:-1]) * 0.5)
    return auc

if __name__ == "__main__":
    import jax
    _d = setup_inputs()
    print(jax.jit(kernel)(*tuple(_d.values())))

</pallas_src>

<mosaic_0001>
#map = affine_map<(d0, d1) -> (0, 0, 0)>
#map1 = affine_map<(d0, d1) -> (0, 0)>
module attributes {stable_mosaic.version = 14 : i64} {
  func.func @_sc_hist(%arg0: i32, %arg1: i32, %arg2: memref<16x512x512xf32, #tpu.memory_space<hbm>>, %arg3: memref<16x512x512xf32, #tpu.memory_space<hbm>>, %arg4: memref<512x2048xf32, #tpu.memory_space<hbm>>, %arg5: memref<2x16x512xf32, #tpu.memory_space<vmem>>, %arg6: memref<2x16x512xf32, #tpu.memory_space<vmem>>, %arg7: memref<32768xf32, #tpu.memory_space<vmem>>, %arg8: memref<!tpu.dma_semaphore, #tpu.memory_space<semaphore_mem>>, %arg9: memref<!tpu.dma_semaphore, #tpu.memory_space<semaphore_mem>>) attributes {dimension_semantics = [#tpu.dimension_semantics<core_parallel>, #tpu.dimension_semantics<subcore_parallel>], iteration_bounds = array<i64: 2, 16>, scalar_prefetch = 0 : i64, scratch_operands = 5 : i64, tpu.core_type = #tpu.core_type<sc_vector_subcore>, window_params = [{transform_indices = #map}, {transform_indices = #map}, {transform_indices = #map1}]} {
    %mul3A = arith.constant 2 : i32
    %mul3A_0 = arith.muli %arg1, %mul3A : i32
    %add3A = arith.addi %mul3A_0, %arg0 : i32
    %mul3A_1 = arith.constant 16 : i32
    %mul3A_2 = arith.muli %add3A, %mul3A_1 : i32
    %broadcast_in_dim3A = arith.constant 0.000000e+00 : f32
    %broadcast_in_dim3A_3 = vector.broadcast %broadcast_in_dim3A : f32 to vector<16xf32>
    %broadcast_in_dim3A_4 = arith.constant 1.000000e+00 : f32
    %broadcast_in_dim3A_5 = vector.broadcast %broadcast_in_dim3A_4 : f32 to vector<16xf32>
    %iota3A = tpu.iota {dimensions = array<i32: 0>} : vector<16xi32>
    %mul3A_6 = arith.constant 2048 : i32
    %mul3A_7 = vector.broadcast %mul3A_6 : i32 to vector<16xi32>
    %mul3A_8 = arith.muli %iota3A, %mul3A_7 : vector<16xi32>
    %parallel_loop3A = arith.constant 0 : i32
    %parallel_loop3A_9 = arith.constant 2048 : i32
    %parallel_loop3A_10 = arith.constant 1 : i32
    scf.for %parallel_loop3A_473 = %parallel_loop3A to %parallel_loop3A_9 step %parallel_loop3A_10  : i32 {
      %parallel_loop3A_474 = arith.constant 16 : i32
      %parallel_loop3A_475 = arith.muli %parallel_loop3A_473, %parallel_loop3A_474 : i32
      %parallel_loop3A_476 = arith.index_cast %parallel_loop3A_475 : i32 to index
      %parallel_loop3A_477 = tpu.vector_load %arg7[%parallel_loop3A_476] {strides = array<i32>} : memref<32768xf32, #tpu.memory_space<vmem>>, vector<16xf32>,
      tpu.vector_store %arg7[%parallel_loop3A_476], %broadcast_in_dim3A_3 {strides = array<i32>} : memref<32768xf32, #tpu.memory_space<vmem>>, vector<16xf32>,
    } {sc.loop_unroll_factor = 8 : i64, sc.parallel_access}
    %add3A_11 = arith.constant 0 : i32
    %add3A_12 = arith.addi %mul3A_2, %add3A_11 : i32
    %shift_right_arithmetic3A = arith.constant 5 : i32
    %shift_right_arithmetic3A_13 = arith.shrsi %add3A_12, %shift_right_arithmetic3A : i32
    %and3A = arith.constant 31 : i32
    %and3A_14 = arith.andi %add3A_12, %and3A : i32
    %shift_left3A = arith.constant 4 : i32
    %shift_left3A_15 = arith.shli %and3A_14, %shift_left3A : i32
    %multiple_of3A = tpu.assume_multiple %shift_left3A_15, 16 : i32
    %dma_start3A = arith.constant 0 : i32
    %dma_start3A_16 = arith.constant 0 : i32
    %dma_start3A_17 = arith.constant 0 : i32
    %dma_start3A_18 = tpu.memref_slice %arg5[%dma_start3A, %dma_start3A_16, %dma_start3A_17] : memref<2x16x512xf32, #tpu.memory_space<vmem>> -> memref<1x16x512xf32, #tpu.memory_space<vmem>>
    %dma_start3A_19 = tpu.memref_squeeze %dma_start3A_18 : memref<1x16x512xf32, #tpu.memory_space<vmem>> -> memref<16x512xf32, #tpu.memory_space<vmem>>
    %dma_start3A_20 = arith.constant 0 : i32
    %dma_start3A_21 = tpu.memref_slice %arg2[%shift_right_arithmetic3A_13, %multiple_of3A, %dma_start3A_20] : memref<16x512x512xf32, #tpu.memory_space<hbm>> -> memref<1x16x512xf32, #tpu.memory_space<hbm>>
    %dma_start3A_22 = tpu.memref_squeeze %dma_start3A_21 : memref<1x16x512xf32, #tpu.memory_space<hbm>> -> memref<16x512xf32, #tpu.memory_space<hbm>>
    %dma_start3A_23 = arith.constant 0 : i32
    %dma_start3A_24 = arith.constant 0 : i32
    %dma_start3A_25 = tpu.memref_slice %arg5[%dma_start3A, %dma_start3A_23, %dma_start3A_24] : memref<2x16x512xf32, #tpu.memory_space<vmem>> -> memref<1x16x512xf32, #tpu.memory_space<vmem>>
    %dma_start3A_26 = tpu.memref_squeeze %dma_start3A_25 : memref<1x16x512xf32, #tpu.memory_space<vmem>> -> memref<16x512xf32, #tpu.memory_space<vmem>>
    %dma_start3A_27 = arith.constant 0 : i32
    %dma_start3A_28 = tpu.memref_slice %arg2[%shift_right_arithmetic3A_13, %multiple_of3A, %dma_start3A_27] : memref<16x512x512xf32, #tpu.memory_space<hbm>> -> memref<1x16x512xf32, #tpu.memory_space<hbm>>
    %dma_start3A_29 = tpu.memref_squeeze %dma_start3A_28 : memref<1x16x512xf32, #tpu.memory_space<hbm>> -> memref<16x512xf32, #tpu.memory_space<hbm>>
    tpu.enqueue_dma source(%dma_start3A_29 : memref<16x512xf32, #tpu.memory_space<hbm>>) target(%dma_start3A_26 : memref<16x512xf32, #tpu.memory_space<vmem>>) target_semaphore(%arg8 : memref<!tpu.dma_semaphore, #tpu.memory_space<semaphore_mem>>)
    %dma_start3A_30 = arith.constant 0 : i32
    %dma_start3A_31 = arith.constant 0 : i32
    %dma_start3A_32 = arith.constant 0 : i32
    %dma_start3A_33 = tpu.memref_slice %arg6[%dma_start3A_30, %dma_start3A_31, %dma_start3A_32] : memref<2x16x512xf32, #tpu.memory_space<vmem>> -> memref<1x16x512xf32, #tpu.memory_space<vmem>>
    %dma_start3A_34 = tpu.memref_squeeze %dma_start3A_33 : memref<1x16x512xf32, #tpu.memory_space<vmem>> -> memref<16x512xf32, #tpu.memory_space<vmem>>
    %dma_start3A_35 = arith.constant 0 : i32
    %dma_start3A_36 = tpu.memref_slice %arg3[%shift_right_arithmetic3A_13, %multiple_of3A, %dma_start3A_35] : memref<16x512x512xf32, #tpu.memory_space<hbm>> -> memref<1x16x512xf32, #tpu.memory_space<hbm>>
    %dma_start3A_37 = tpu.memref_squeeze %dma_start3A_36 : memref<1x16x512xf32, #tpu.memory_space<hbm>> -> memref<16x512xf32, #tpu.memory_space<hbm>>
    %dma_start3A_38 = arith.constant 0 : i32
    %dma_start3A_39 = arith.constant 0 : i32
    %dma_start3A_40 = tpu.memref_slice %arg6[%dma_start3A_30, %dma_start3A_38, %dma_start3A_39] : memref<2x16x512xf32, #tpu.memory_space<vmem>> -> memref<1x16x512xf32, #tpu.memory_space<vmem>>
    %dma_start3A_41 = tpu.memref_squeeze %dma_start3A_40 : memref<1x16x512xf32, #tpu.memory_space<vmem>> -> memref<16x512xf32, #tpu.memory_space<vmem>>
    %dma_start3A_42 = arith.constant 0 : i32
    %dma_start3A_43 = tpu.memref_slice %arg3[%shift_right_arithmetic3A_13, %multiple_of3A, %dma_start3A_42] : memref<16x512x512xf32, #tpu.memory_space<hbm>> -> memref<1x16x512xf32, #tpu.memory_space<hbm>>
    %dma_start3A_44 = tpu.memref_squeeze %dma_start3A_43 : memref<1x16x512xf32, #tpu.memory_space<hbm>> -> memref<16x512xf32, #tpu.memory_space<hbm>>
    tpu.enqueue_dma source(%dma_start3A_44 : memref<16x512xf32, #tpu.memory_space<hbm>>) target(%dma_start3A_41 : memref<16x512xf32, #tpu.memory_space<vmem>>) target_semaphore(%arg8 : memref<!tpu.dma_semaphore, #tpu.memory_space<semaphore_mem>>)
    %add3A_45 = arith.constant 1 : i32
    %add3A_46 = arith.addi %mul3A_2, %add3A_45 : i32
    %shift_right_arithmetic3A_47 = arith.constant 5 : i32
    %shift_right_arithmetic3A_48 = arith.shrsi %add3A_46, %shift_right_arithmetic3A_47 : i32
    %and3A_49 = arith.constant 31 : i32
    %and3A_50 = arith.andi %add3A_46, %and3A_49 : i32
    %shift_left3A_51 = arith.constant 4 : i32
    %shift_left3A_52 = arith.shli %and3A_50, %shift_left3A_51 : i32
    %multiple_of3A_53 = tpu.assume_multiple %shift_left3A_52, 16 : i32
    %dma_start3A_54 = arith.constant 1 : i32
    %dma_start3A_55 = arith.constant 0 : i32
    %dma_start3A_56 = arith.constant 0 : i32
    %dma_start3A_57 = tpu.memref_slice %arg5[%dma_start3A_54, %dma_start3A_55, %dma_start3A_56] : memref<2x16x512xf32, #tpu.memory_space<vmem>> -> memref<1x16x512xf32, #tpu.memory_space<vmem>>
    %dma_start3A_58 = tpu.memref_squeeze %dma_start3A_57 : memref<1x16x512xf32, #tpu.memory_space<vmem>> -> memref<16x512xf32, #tpu.memory_space<vmem>>
    %dma_start3A_59 = arith.constant 0 : i32
    %dma_start3A_60 = tpu.memref_slice %arg2[%shift_right_arithmetic3A_48, %multiple_of3A_53, %dma_start3A_59] : memref<16x512x512xf32, #tpu.memory_space<hbm>> -> memref<1x16x512xf32, #tpu.memory_space<hbm>>
    %dma_start3A_61 = tpu.memref_squeeze %dma_start3A_60 : memref<1x16x512xf32, #tpu.memory_space<hbm>> -> memref<16x512xf32, #tpu.memory_space<hbm>>
    %dma_start3A_62 = arith.constant 0 : i32
    %dma_start3A_63 = arith.constant 0 : i32
    %dma_start3A_64 = tpu.memref_slice %arg5[%dma_start3A_54, %dma_start3A_62, %dma_start3A_63] : memref<2x16x512xf32, #tpu.memory_space<vmem>> -> memref<1x16x512xf32, #tpu.memory_space<vmem>>
    %dma_start3A_65 = tpu.memref_squeeze %dma_start3A_64 : memref<1x16x512xf32, #tpu.memory_space<vmem>> -> memref<16x512xf32, #tpu.memory_space<vmem>>
    %dma_start3A_66 = arith.constant 0 : i32
    %dma_start3A_67 = tpu.memref_slice %arg2[%shift_right_arithmetic3A_48, %multiple_of3A_53, %dma_start3A_66] : memref<16x512x512xf32, #tpu.memory_space<hbm>> -> memref<1x16x512xf32, #tpu.memory_space<hbm>>
    %dma_start3A_68 = tpu.memref_squeeze %dma_start3A_67 : memref<1x16x512xf32, #tpu.memory_space<hbm>> -> memref<16x512xf32, #tpu.memory_space<hbm>>
    tpu.enqueue_dma source(%dma_start3A_68 : memref<16x512xf32, #tpu.memory_space<hbm>>) target(%dma_start3A_65 : memref<16x512xf32, #tpu.memory_space<vmem>>) target_semaphore(%arg9 : memref<!tpu.dma_semaphore, #tpu.memory_space<semaphore_mem>>)
    %dma_start3A_69 = arith.constant 1 : i32
    %dma_start3A_70 = arith.constant 0 : i32
    %dma_start3A_71 = arith.constant 0 : i32
    %dma_start3A_72 = tpu.memref_slice %arg6[%dma_start3A_69, %dma_start3A_70, %dma_start3A_71] : memref<2x16x512xf32, #tpu.memory_space<vmem>> -> memref<1x16x512xf32, #tpu.memory_space<vmem>>
    %dma_start3A_73 = tpu.memref_squeeze %dma_start3A_72 : memref<1x16x512xf32, #tpu.memory_space<vmem>> -> memref<16x512xf32, #tpu.memory_space<vmem>>
    %dma_start3A_74 = arith.constant 0 : i32
    %dma_start3A_75 = tpu.memref_slice %arg3[%shift_right_arithmetic3A_48, %multiple_of3A_53, %dma_start3A_74] : memref<16x512x512xf32, #tpu.memory_space<hbm>> -> memref<1x16x512xf32, #tpu.memory_space<hbm>>
    %dma_start3A_76 = tpu.memref_squeeze %dma_start3A_75 : memref<1x16x512xf32, #tpu.memory_space<hbm>> -> memref<16x512xf32, #tpu.memory_space<hbm>>
    %dma_start3A_77 = arith.constant 0 : i32
    %dma_start3A_78 = arith.constant 0 : i32
    %dma_start3A_79 = tpu.memref_slice %arg6[%dma_start3A_69, %dma_start3A_77, %dma_start3A_78] : memref<2x16x512xf32, #tpu.memory_space<vmem>> -> memref<1x16x512xf32, #tpu.memory_space<vmem>>
    %dma_start3A_80 = tpu.memref_squeeze %dma_start3A_79 : memref<1x16x512xf32, #tpu.memory_space<vmem>> -> memref<16x512xf32, #tpu.memory_space<vmem>>
    %dma_start3A_81 = arith.constant 0 : i32
    %dma_start3A_82 = tpu.memref_slice %arg3[%shift_right_arithmetic3A_48, %multiple_of3A_53, %dma_start3A_81] : memref<16x512x512xf32, #tpu.memory_space<hbm>> -> memref<1x16x512xf32, #tpu.memory_space<hbm>>
    %dma_start3A_83 = tpu.memref_squeeze %dma_start3A_82 : memref<1x16x512xf32, #tpu.memory_space<hbm>> -> memref<16x512xf32, #tpu.memory_space<hbm>>
    tpu.enqueue_dma source(%dma_start3A_83 : memref<16x512xf32, #tpu.memory_space<hbm>>) target(%dma_start3A_80 : memref<16x512xf32, #tpu.memory_space<vmem>>) target_semaphore(%arg9 : memref<!tpu.dma_semaphore, #tpu.memory_space<semaphore_mem>>)
    %scan3A = arith.constant 0 : i32
    %scan3A_84 = arith.constant 0 : i32
    %scan3A_85 = arith.constant 8 : i32
    %scan3A_86 = arith.addi %scan3A_84, %scan3A_85 : i32
    %scan3A_87 = arith.constant 1 : i32
    %scan3A_88 = scf.for %scan3A_473 = %scan3A_84 to %scan3A_86 step %scan3A_87 iter_args(%scan3A_474 = %scan3A) -> (i32)  : i32 {
      %mul3A_475 = arith.constant 2 : i32
      %mul3A_476 = arith.muli %mul3A_475, %scan3A_473 : i32
      %add3A_477 = arith.constant 0 : i32
      %add3A_478 = arith.addi %mul3A_476, %add3A_477 : i32
      %add3A_479 = arith.addi %mul3A_2, %add3A_478 : i32
      %shift_right_arithmetic3A_480 = arith.constant 5 : i32
      %shift_right_arithmetic3A_481 = arith.shrsi %add3A_479, %shift_right_arithmetic3A_480 : i32
      %and3A_482 = arith.constant 31 : i32
      %and3A_483 = arith.andi %add3A_479, %and3A_482 : i32
      %shift_left3A_484 = arith.constant 4 : i32
      %shift_left3A_485 = arith.shli %and3A_483, %shift_left3A_484 : i32
      %multiple_of3A_486 = tpu.assume_multiple %shift_left3A_485, 16 : i32
      %dma_wait3A_487 = arith.constant 0 : i32
      %dma_wait3A_488 = arith.constant 0 : i32
      %dma_wait3A_489 = arith.constant 0 : i32
      %dma_wait3A_490 = tpu.memref_slice %arg5[%dma_wait3A_487, %dma_wait3A_488, %dma_wait3A_489] : memref<2x16x512xf32, #tpu.memory_space<vmem>> -> memref<1x16x512xf32, #tpu.memory_space<vmem>>
      %dma_wait3A_491 = tpu.memref_squeeze %dma_wait3A_490 : memref<1x16x512xf32, #tpu.memory_space<vmem>> -> memref<16x512xf32, #tpu.memory_space<vmem>>
      %dma_wait3A_492 = arith.constant 0 : i32
      %dma_wait3A_493 = tpu.memref_slice %arg2[%shift_right_arithmetic3A_481, %multiple_of3A_486, %dma_wait3A_492] : memref<16x512x512xf32, #tpu.memory_space<hbm>> -> memref<1x16x512xf32, #tpu.memory_space<hbm>>
      %dma_wait3A_494 = tpu.memref_squeeze %dma_wait3A_493 : memref<1x16x512xf32, #tpu.memory_space<hbm>> -> memref<16x512xf32, #tpu.memory_space<hbm>>
      %dma_wait3A_495 = arith.constant 0 : i32
      %dma_wait3A_496 = arith.constant 0 : i32
      %dma_wait3A_497 = tpu.memref_slice %arg5[%dma_wait3A_487, %dma_wait3A_495, %dma_wait3A_496] : memref<2x16x512xf32, #tpu.memory_space<vmem>> -> memref<1x16x512xf32, #tpu.memory_space<vmem>>
      %dma_wait3A_498 = tpu.memref_squeeze %dma_wait3A_497 : memref<1x16x512xf32, #tpu.memory_space<vmem>> -> memref<16x512xf32, #tpu.memory_space<vmem>>
      %dma_wait3A_499 = arith.constant 0 : i32
      %dma_wait3A_500 = tpu.memref_slice %arg2[%shift_right_arithmetic3A_481, %multiple_of3A_486, %dma_wait3A_499] : memref<16x512x512xf32, #tpu.memory_space<hbm>> -> memref<1x16x512xf32, #tpu.memory_space<hbm>>
      %dma_wait3A_501 = tpu.memref_squeeze %dma_wait3A_500 : memref<1x16x512xf32, #tpu.memory_space<hbm>> -> memref<16x512xf32, #tpu.memory_space<hbm>>
      tpu.wait_dma2 semaphore(%arg8 : memref<!tpu.dma_semaphore, #tpu.memory_space<semaphore_mem>>) src(%dma_wait3A_501 : memref<16x512xf32, #tpu.memory_space<hbm>>) dst(%dma_wait3A_498 : memref<16x512xf32, #tpu.memory_space<vmem>>)
      %dma_wait3A_502 = arith.constant 0 : i32
      %dma_wait3A_503 = arith.constant 0 : i32
      %dma_wait3A_504 = arith.constant 0 : i32
      %dma_wait3A_505 = tpu.memref_slice %arg6[%dma_wait3A_502, %dma_wait3A_503, %dma_wait3A_504] : memref<2x16x512xf32, #tpu.memory_space<vmem>> -> memref<1x16x512xf32, #tpu.memory_space<vmem>>
      %dma_wait3A_506 = tpu.memref_squeeze %dma_wait3A_505 : memref<1x16x512xf32, #tpu.memory_space<vmem>> -> memref<16x512xf32, #tpu.memory_space<vmem>>
      %dma_wait3A_507 = arith.constant 0 : i32
      %dma_wait3A_508 = tpu.memref_slice %arg3[%shift_right_arithmetic3A_481, %multiple_of3A_486, %dma_wait3A_507] : memref<16x512x512xf32, #tpu.memory_space<hbm>> -> memref<1x16x512xf32, #tpu.memory_space<hbm>>
      %dma_wait3A_509 = tpu.memref_squeeze %dma_wait3A_508 : memref<1x16x512xf32, #tpu.memory_space<hbm>> -> memref<16x512xf32, #tpu.memory_space<hbm>>
      %dma_wait3A_510 = arith.constant 0 : i32
      %dma_wait3A_511 = arith.constant 0 : i32
      %dma_wait3A_512 = tpu.memref_slice %arg6[%dma_wait3A_502, %dma_wait3A_510, %dma_wait3A_511] : memref<2x16x512xf32, #tpu.memory_space<vmem>> -> memref<1x16x512xf32, #tpu.memory_space<vmem>>
      %dma_wait3A_513 = tpu.memref_squeeze %dma_wait3A_512 : memref<1x16x512xf32, #tpu.memory_space<vmem>> -> memref<16x512xf32, #tpu.memory_space<vmem>>
      %dma_wait3A_514 = arith.constant 0 : i32
      %dma_wait3A_515 = tpu.memref_slice %arg3[%shift_right_arithmetic3A_481, %multiple_of3A_486, %dma_wait3A_514] : memref<16x512x512xf32, #tpu.memory_space<hbm>> -> memref<1x16x512xf32, #tpu.memory_space<hbm>>
      %dma_wait3A_516 = tpu.memref_squeeze %dma_wait3A_515 : memref<1x16x512xf32, #tpu.memory_space<hbm>> -> memref<16x512xf32, #tpu.memory_space<hbm>>
      tpu.wait_dma2 semaphore(%arg8 : memref<!tpu.dma_semaphore, #tpu.memory_space<semaphore_mem>>) src(%dma_wait3A_516 : memref<16x512xf32, #tpu.memory_space<hbm>>) dst(%dma_wait3A_513 : memref<16x512xf32, #tpu.memory_space<vmem>>)
      %parallel_loop3A_517 = arith.constant 0 : i32
      %parallel_loop3A_518 = arith.constant 512 : i32
      %parallel_loop3A_519 = arith.constant 1 : i32
      scf.for %parallel_loop3A_575 = %parallel_loop3A_517 to %parallel_loop3A_518 step %parallel_loop3A_519  : i32 {
        %parallel_loop3A_576 = arith.constant 5 : i32
        %parallel_loop3A_577 = arith.shrsi %parallel_loop3A_575, %parallel_loop3A_576 : i32
        %parallel_loop3A_578 = arith.constant 31 : i32
        %parallel_loop3A_579 = arith.andi %parallel_loop3A_575, %parallel_loop3A_578 : i32
        %parallel_loop3A_580 = arith.constant 16 : i32
        %parallel_loop3A_581 = arith.muli %parallel_loop3A_579, %parallel_loop3A_580 : i32
        %parallel_loop3A_582 = arith.constant 0 : i32
        %parallel_loop3A_583 = arith.index_cast %parallel_loop3A_582 : i32 to index
        %parallel_loop3A_584 = arith.index_cast %parallel_loop3A_577 : i32 to index
        %parallel_loop3A_585 = arith.index_cast %parallel_loop3A_581 : i32 to index
        %parallel_loop3A_586 = tpu.vector_load %arg5[%parallel_loop3A_583, %parallel_loop3A_584, %parallel_loop3A_585] {strides = array<i32>} : memref<2x16x512xf32, #tpu.memory_space<vmem>>, vector<16xf32>,
        %parallel_loop3A_587 = arith.constant 5 : i32
        %parallel_loop3A_588 = arith.shrsi %parallel_loop3A_575, %parallel_loop3A_587 : i32
        %parallel_loop3A_589 = arith.constant 31 : i32
        %parallel_loop3A_590 = arith.andi %parallel_loop3A_575, %parallel_loop3A_589 : i32
        %parallel_loop3A_591 = arith.constant 16 : i32
        %parallel_loop3A_592 = arith.muli %parallel_loop3A_590, %parallel_loop3A_591 : i32
        %parallel_loop3A_593 = arith.constant 0 : i32
        %parallel_loop3A_594 = arith.index_cast %parallel_loop3A_593 : i32 to index
        %parallel_loop3A_595 = arith.index_cast %parallel_loop3A_588 : i32 to index
        %parallel_loop3A_596 = arith.index_cast %parallel_loop3A_592 : i32 to index
        %parallel_loop3A_597 = tpu.vector_load %arg6[%parallel_loop3A_594, %parallel_loop3A_595, %parallel_loop3A_596] {strides = array<i32>} : memref<2x16x512xf32, #tpu.memory_space<vmem>>, vector<16xf32>,
        %parallel_loop3A_598 = vector.bitcast %parallel_loop3A_586 : vector<16xf32> to vector<16xi32>
        %parallel_loop3A_599 = vector.bitcast %parallel_loop3A_597 : vector<16xf32> to vector<16xi32>
        %parallel_loop3A_600 = arith.constant 22 : i32
        %parallel_loop3A_601 = vector.broadcast %parallel_loop3A_600 : i32 to vector<16xi32>
        %parallel_loop3A_602 = arith.shrui %parallel_loop3A_598, %parallel_loop3A_601 : vector<16xi32>
        %parallel_loop3A_603 = arith.constant 13 : i32
        %parallel_loop3A_604 = vector.broadcast %parallel_loop3A_603 : i32 to vector<16xi32>
        %parallel_loop3A_605 = arith.shrui %parallel_loop3A_599, %parallel_loop3A_604 : vector<16xi32>
        %parallel_loop3A_606 = arith.constant 1024 : i32
        %parallel_loop3A_607 = vector.broadcast %parallel_loop3A_606 : i32 to vector<16xi32>
        %parallel_loop3A_608 = arith.andi %parallel_loop3A_605, %parallel_loop3A_607 : vector<16xi32>
        %parallel_loop3A_609 = arith.addi %mul3A_8, %parallel_loop3A_602 : vector<16xi32>
        %parallel_loop3A_610 = arith.addi %parallel_loop3A_609, %parallel_loop3A_608 : vector<16xi32>
        tpu.vector_store_idx %arg7[%parallel_loop3A_610], %broadcast_in_dim3A_5 {add = true} : memref<32768xf32, #tpu.memory_space<vmem>>[vector<16xi32>], vector<16xf32>,
      } {sc.loop_unroll_factor = 8 : i64, sc.parallel_access}
      %add3A_520 = arith.constant 2 : i32
      %add3A_521 = arith.addi %add3A_478, %add3A_520 : i32
      %lt3A = arith.constant 16 : i32
      %lt3A_522 = arith.cmpi slt, %add3A_521, %lt3A : i32
      %convert_element_type3A = arith.extui %lt3A_522 : i1 to i32
      %cond3A = arith.constant 0 : i32
      %cond3A_523 = arith.cmpi ne, %convert_element_type3A, %cond3A : i32
      scf.if %cond3A_523 {
        %add3A_575 = arith.constant 2 : i32
        %add3A_576 = arith.addi %add3A_478, %add3A_575 : i32
        %add3A_577 = arith.addi %mul3A_2, %add3A_576 : i32
        %shift_right_arithmetic3A_578 = arith.constant 5 : i32
        %shift_right_arithmetic3A_579 = arith.shrsi %add3A_577, %shift_right_arithmetic3A_578 : i32
        %and3A_580 = arith.constant 31 : i32
        %and3A_581 = arith.andi %add3A_577, %and3A_580 : i32
        %shift_left3A_582 = arith.constant 4 : i32
        %shift_left3A_583 = arith.shli %and3A_581, %shift_left3A_582 : i32
        %multiple_of3A_584 = tpu.assume_multiple %shift_left3A_583, 16 : i32
        %dma_start3A_585 = arith.constant 0 : i32
        %dma_start3A_586 = arith.constant 0 : i32
        %dma_start3A_587 = arith.constant 0 : i32
        %dma_start3A_588 = tpu.memref_slice %arg5[%dma_start3A_585, %dma_start3A_586, %dma_start3A_587] : memref<2x16x512xf32, #tpu.memory_space<vmem>> -> memref<1x16x512xf32, #tpu.memory_space<vmem>>
        %dma_start3A_589 = tpu.memref_squeeze %dma_start3A_588 : memref<1x16x512xf32, #tpu.memory_space<vmem>> -> memref<16x512xf32, #tpu.memory_space<vmem>>
        %dma_start3A_590 = arith.constant 0 : i32
        %dma_start3A_591 = tpu.memref_slice %arg2[%shift_right_arithmetic3A_579, %multiple_of3A_584, %dma_start3A_590] : memref<16x512x512xf32, #tpu.memory_space<hbm>> -> memref<1x16x512xf32, #tpu.memory_space<hbm>>
        %dma_start3A_592 = tpu.memref_squeeze %dma_start3A_591 : memref<1x16x512xf32, #tpu.memory_space<hbm>> -> memref<16x512xf32, #tpu.memory_space<hbm>>
        %dma_start3A_593 = arith.constant 0 : i32
        %dma_start3A_594 = arith.constant 0 : i32
        %dma_start3A_595 = tpu.memref_slice %arg5[%dma_start3A_585, %dma_start3A_593, %dma_start3A_594] : memref<2x16x512xf32, #tpu.memory_space<vmem>> -> memref<1x16x512xf32, #tpu.memory_space<vmem>>
        %dma_start3A_596 = tpu.memref_squeeze %dma_start3A_595 : memref<1x16x512xf32, #tpu.memory_space<vmem>> -> memref<16x512xf32, #tpu.memory_space<vmem>>
        %dma_start3A_597 = arith.constant 0 : i32
        %dma_start3A_598 = tpu.memref_slice %arg2[%shift_right_arithmetic3A_579, %multiple_of3A_584, %dma_start3A_597] : memref<16x512x512xf32, #tpu.memory_space<hbm>> -> memref<1x16x512xf32, #tpu.memory_space<hbm>>
        %dma_start3A_599 = tpu.memref_squeeze %dma_start3A_598 : memref<1x16x512xf32, #tpu.memory_space<hbm>> -> memref<16x512xf32, #tpu.memory_space<hbm>>
        tpu.enqueue_dma source(%dma_start3A_599 : memref<16x512xf32, #tpu.memory_space<hbm>>) target(%dma_start3A_596 : memref<16x512xf32, #tpu.memory_space<vmem>>) target_semaphore(%arg8 : memref<!tpu.dma_semaphore, #tpu.memory_space<semaphore_mem>>)
        %dma_start3A_600 = arith.constant 0 : i32
        %dma_start3A_601 = arith.constant 0 : i32
        %dma_start3A_602 = arith.constant 0 : i32
        %dma_start3A_603 = tpu.memref_slice %arg6[%dma_start3A_600, %dma_start3A_601, %dma_start3A_602] : memref<2x16x512xf32, #tpu.memory_space<vmem>> -> memref<1x16x512xf32, #tpu.memory_space<vmem>>
        %dma_start3A_604 = tpu.memref_squeeze %dma_start3A_603 : memref<1x16x512xf32, #tpu.memory_space<vmem>> -> memref<16x512xf32, #tpu.memory_space<vmem>>
        %dma_start3A_605 = arith.constant 0 : i32
        %dma_start3A_606 = tpu.memref_slice %arg3[%shift_right_arithmetic3A_579, %multiple_of3A_584, %dma_start3A_605] : memref<16x512x512xf32, #tpu.memory_space<hbm>> -> memref<1x16x512xf32, #tpu.memory_space<hbm>>
        %dma_start3A_607 = tpu.memref_squeeze %dma_start3A_606 : memref<1x16x512xf32, #tpu.memory_space<hbm>> -> memref<16x512xf32, #tpu.memory_space<hbm>>
        %dma_start3A_608 = arith.constant 0 : i32
        %dma_start3A_609 = arith.constant 0 : i32
        %dma_start3A_610 = tpu.memref_slice %arg6[%dma_start3A_600, %dma_start3A_608, %dma_start3A_609] : memref<2x16x512xf32, #tpu.memory_space<vmem>> -> memref<1x16x512xf32, #tpu.memory_space<vmem>>
        %dma_start3A_611 = tpu.memref_squeeze %dma_start3A_610 : memref<1x16x512xf32, #tpu.memory_space<vmem>> -> memref<16x512xf32, #tpu.memory_space<vmem>>
        %dma_start3A_612 = arith.constant 0 : i32
        %dma_start3A_613 = tpu.memref_slice %arg3[%shift_right_arithmetic3A_579, %multiple_of3A_584, %dma_start3A_612] : memref<16x512x512xf32, #tpu.memory_space<hbm>> -> memref<1x16x512xf32, #tpu.memory_space<hbm>>
        %dma_start3A_614 = tpu.memref_squeeze %dma_start3A_613 : memref<1x16x512xf32, #tpu.memory_space<hbm>> -> memref<16x512xf32, #tpu.memory_space<hbm>>
        tpu.enqueue_dma source(%dma_start3A_614 : memref<16x512xf32, #tpu.memory_space<hbm>>) target(%dma_start3A_611 : memref<16x512xf32, #tpu.memory_space<vmem>>) target_semaphore(%arg8 : memref<!tpu.dma_semaphore, #tpu.memory_space<semaphore_mem>>)
      } else {
      }
      %add3A_524 = arith.constant 1 : i32
      %add3A_525 = arith.addi %mul3A_476, %add3A_524 : i32
      %add3A_526 = arith.addi %mul3A_2, %add3A_525 : i32
      %shift_right_arithmetic3A_527 = arith.constant 5 : i32
      %shift_right_arithmetic3A_528 = arith.shrsi %add3A_526, %shift_right_arithmetic3A_527 : i32
      %and3A_529 = arith.constant 31 : i32
      %and3A_530 = arith.andi %add3A_526, %and3A_529 : i32
      %shift_left3A_531 = arith.constant 4 : i32
      %shift_left3A_532 = arith.shli %and3A_530, %shift_left3A_531 : i32
      %multiple_of3A_533 = tpu.assume_multiple %shift_left3A_532, 16 : i32
      %dma_wait3A_534 = arith.constant 1 : i32
      %dma_wait3A_535 = arith.constant 0 : i32
      %dma_wait3A_536 = arith.constant 0 : i32
      %dma_wait3A_537 = tpu.memref_slice %arg5[%dma_wait3A_534, %dma_wait3A_535, %dma_wait3A_536] : memref<2x16x512xf32, #tpu.memory_space<vmem>> -> memref<1x16x512xf32, #tpu.memory_space<vmem>>
      %dma_wait3A_538 = tpu.memref_squeeze %dma_wait3A_537 : memref<1x16x512xf32, #tpu.memory_space<vmem>> -> memref<16x512xf32, #tpu.memory_space<vmem>>
      %dma_wait3A_539 = arith.constant 0 : i32
      %dma_wait3A_540 = tpu.memref_slice %arg2[%shift_right_arithmetic3A_528, %multiple_of3A_533, %dma_wait3A_539] : memref<16x512x512xf32, #tpu.memory_space<hbm>> -> memref<1x16x512xf32, #tpu.memory_space<hbm>>
      %dma_wait3A_541 = tpu.memref_squeeze %dma_wait3A_540 : memref<1x16x512xf32, #tpu.memory_space<hbm>> -> memref<16x512xf32, #tpu.memory_space<hbm>>
      %dma_wait3A_542 = arith.constant 0 : i32
      %dma_wait3A_543 = arith.constant 0 : i32
      %dma_wait3A_544 = tpu.memref_slice %arg5[%dma_wait3A_534, %dma_wait3A_542, %dma_wait3A_543] : memref<2x16x512xf32, #tpu.memory_space<vmem>> -> memref<1x16x512xf32, #tpu.memory_space<vmem>>
      %dma_wait3A_545 = tpu.memref_squeeze %dma_wait3A_544 : memref<1x16x512xf32, #tpu.memory_space<vmem>> -> memref<16x512xf32, #tpu.memory_space<vmem>>
      %dma_wait3A_546 = arith.constant 0 : i32
      %dma_wait3A_547 = tpu.memref_slice %arg2[%shift_right_arithmetic3A_528, %multiple_of3A_533, %dma_wait3A_546] : memref<16x512x512xf32, #tpu.memory_space<hbm>> -> memref<1x16x512xf32, #tpu.memory_space<hbm>>
      %dma_wait3A_548 = tpu.memref_squeeze %dma_wait3A_547 : memref<1x16x512xf32, #tpu.memory_space<hbm>> -> memref<16x512xf32, #tpu.memory_space<hbm>>
      tpu.wait_dma2 semaphore(%arg9 : memref<!tpu.dma_semaphore, #tpu.memory_space<semaphore_mem>>) src(%dma_wait3A_548 : memref<16x512xf32, #tpu.memory_space<hbm>>) dst(%dma_wait3A_545 : memref<16x512xf32, #tpu.memory_space<vmem>>)
      %dma_wait3A_549 = arith.constant 1 : i32
      %dma_wait3A_550 = arith.constant 0 : i32
      %dma_wait3A_551 = arith.constant 0 : i32
      %dma_wait3A_552 = tpu.memref_slice %arg6[%dma_wait3A_549, %dma_wait3A_550, %dma_wait3A_551] : memref<2x16x512xf32, #tpu.memory_space<vmem>> -> memref<1x16x512xf32, #tpu.memory_space<vmem>>
      %dma_wait3A_553 = tpu.memref_squeeze %dma_wait3A_552 : memref<1x16x512xf32, #tpu.memory_space<vmem>> -> memref<16x512xf32, #tpu.memory_space<vmem>>
      %dma_wait3A_554 = arith.constant 0 : i32
      %dma_wait3A_555 = tpu.memref_slice %arg3[%shift_right_arithmetic3A_528, %multiple_of3A_533, %dma_wait3A_554] : memref<16x512x512xf32, #tpu.memory_space<hbm>> -> memref<1x16x512xf32, #tpu.memory_space<hbm>>
      %dma_wait3A_556 = tpu.memref_squeeze %dma_wait3A_555 : memref<1x16x512xf32, #tpu.memory_space<hbm>> -> memref<16x512xf32, #tpu.memory_space<hbm>>
      %dma_wait3A_557 = arith.constant 0 : i32
      %dma_wait3A_558 = arith.constant 0 : i32
      %dma_wait3A_559 = tpu.memref_slice %arg6[%dma_wait3A_549, %dma_wait3A_557, %dma_wait3A_558] : memref<2x16x512xf32, #tpu.memory_space<vmem>> -> memref<1x16x512xf32, #tpu.memory_space<vmem>>
      %dma_wait3A_560 = tpu.memref_squeeze %dma_wait3A_559 : memref<1x16x512xf32, #tpu.memory_space<vmem>> -> memref<16x512xf32, #tpu.memory_space<vmem>>
      %dma_wait3A_561 = arith.constant 0 : i32
      %dma_wait3A_562 = tpu.memref_slice %arg3[%shift_right_arithmetic3A_528, %multiple_of3A_533, %dma_wait3A_561] : memref<16x512x512xf32, #tpu.memory_space<hbm>> -> memref<1x16x512xf32, #tpu.memory_space<hbm>>
      %dma_wait3A_563 = tpu.memref_squeeze %dma_wait3A_562 : memref<1x16x512xf32, #tpu.memory_space<hbm>> -> memref<16x512xf32, #tpu.memory_space<hbm>>
      tpu.wait_dma2 semaphore(%arg9 : memref<!tpu.dma_semaphore, #tpu.memory_space<semaphore_mem>>) src(%dma_wait3A_563 : memref<16x512xf32, #tpu.memory_space<hbm>>) dst(%dma_wait3A_560 : memref<16x512xf32, #tpu.memory_space<vmem>>)
      %parallel_loop3A_564 = arith.constant 0 : i32
      %parallel_loop3A_565 = arith.constant 512 : i32
      %parallel_loop3A_566 = arith.constant 1 : i32
      scf.for %parallel_loop3A_575 = %parallel_loop3A_564 to %parallel_loop3A_565 step %parallel_loop3A_566  : i32 {
        %parallel_loop3A_576 = arith.constant 5 : i32
        %parallel_loop3A_577 = arith.shrsi %parallel_loop3A_575, %parallel_loop3A_576 : i32
        %parallel_loop3A_578 = arith.constant 31 : i32
        %parallel_loop3A_579 = arith.andi %parallel_loop3A_575, %parallel_loop3A_578 : i32
        %parallel_loop3A_580 = arith.constant 16 : i32
        %parallel_loop3A_581 = arith.muli %parallel_loop3A_579, %parallel_loop3A_580 : i32
        %parallel_loop3A_582 = arith.constant 1 : i32
        %parallel_loop3A_583 = arith.index_cast %parallel_loop3A_582 : i32 to index
        %parallel_loop3A_584 = arith.index_cast %parallel_loop3A_577 : i32 to index
        %parallel_loop3A_585 = arith.index_cast %parallel_loop3A_581 : i32 to index
        %parallel_loop3A_586 = tpu.vector_load %arg5[%parallel_loop3A_583, %parallel_loop3A_584, %parallel_loop3A_585] {strides = array<i32>} : memref<2x16x512xf32, #tpu.memory_space<vmem>>, vector<16xf32>,
        %parallel_loop3A_587 = arith.constant 5 : i32
        %parallel_loop3A_588 = arith.shrsi %parallel_loop3A_575, %parallel_loop3A_587 : i32
        %parallel_loop3A_589 = arith.constant 31 : i32
        %parallel_loop3A_590 = arith.andi %parallel_loop3A_575, %parallel_loop3A_589 : i32
        %parallel_loop3A_591 = arith.constant 16 : i32
        %parallel_loop3A_592 = arith.muli %parallel_loop3A_590, %parallel_loop3A_591 : i32
        %parallel_loop3A_593 = arith.constant 1 : i32
        %parallel_loop3A_594 = arith.index_cast %parallel_loop3A_593 : i32 to index
        %parallel_loop3A_595 = arith.index_cast %parallel_loop3A_588 : i32 to index
        %parallel_loop3A_596 = arith.index_cast %parallel_loop3A_592 : i32 to index
        %parallel_loop3A_597 = tpu.vector_load %arg6[%parallel_loop3A_594, %parallel_loop3A_595, %parallel_loop3A_596] {strides = array<i32>} : memref<2x16x512xf32, #tpu.memory_space<vmem>>, vector<16xf32>,
        %parallel_loop3A_598 = vector.bitcast %parallel_loop3A_586 : vector<16xf32> to vector<16xi32>
        %parallel_loop3A_599 = vector.bitcast %parallel_loop3A_597 : vector<16xf32> to vector<16xi32>
        %parallel_loop3A_600 = arith.constant 22 : i32
        %parallel_loop3A_601 = vector.broadcast %parallel_loop3A_600 : i32 to vector<16xi32>
        %parallel_loop3A_602 = arith.shrui %parallel_loop3A_598, %parallel_loop3A_601 : vector<16xi32>
        %parallel_loop3A_603 = arith.constant 13 : i32
        %parallel_loop3A_604 = vector.broadcast %parallel_loop3A_603 : i32 to vector<16xi32>
        %parallel_loop3A_605 = arith.shrui %parallel_loop3A_599, %parallel_loop3A_604 : vector<16xi32>
        %parallel_loop3A_606 = arith.constant 1024 : i32
        %parallel_loop3A_607 = vector.broadcast %parallel_loop3A_606 : i32 to vector<16xi32>
        %parallel_loop3A_608 = arith.andi %parallel_loop3A_605, %parallel_loop3A_607 : vector<16xi32>
        %parallel_loop3A_609 = arith.addi %mul3A_8, %parallel_loop3A_602 : vector<16xi32>
        %parallel_loop3A_610 = arith.addi %parallel_loop3A_609, %parallel_loop3A_608 : vector<16xi32>
        tpu.vector_store_idx %arg7[%parallel_loop3A_610], %broadcast_in_dim3A_5 {add = true} : memref<32768xf32, #tpu.memory_space<vmem>>[vector<16xi32>], vector<16xf32>,
      } {sc.loop_unroll_factor = 8 : i64, sc.parallel_access}
      %add3A_567 = arith.constant 2 : i32
      %add3A_568 = arith.addi %add3A_525, %add3A_567 : i32
      %lt3A_569 = arith.constant 16 : i32
      %lt3A_570 = arith.cmpi slt, %add3A_568, %lt3A_569 : i32
      %convert_element_type3A_571 = arith.extui %lt3A_570 : i1 to i32
      %cond3A_572 = arith.constant 0 : i32
      %cond3A_573 = arith.cmpi ne, %convert_element_type3A_571, %cond3A_572 : i32
      scf.if %cond3A_573 {
        %add3A_575 = arith.constant 2 : i32
        %add3A_576 = arith.addi %add3A_525, %add3A_575 : i32
        %add3A_577 = arith.addi %mul3A_2, %add3A_576 : i32
        %shift_right_arithmetic3A_578 = arith.constant 5 : i32
        %shift_right_arithmetic3A_579 = arith.shrsi %add3A_577, %shift_right_arithmetic3A_578 : i32
        %and3A_580 = arith.constant 31 : i32
        %and3A_581 = arith.andi %add3A_577, %and3A_580 : i32
        %shift_left3A_582 = arith.constant 4 : i32
        %shift_left3A_583 = arith.shli %and3A_581, %shift_left3A_582 : i32
        %multiple_of3A_584 = tpu.assume_multiple %shift_left3A_583, 16 : i32
        %dma_start3A_585 = arith.constant 1 : i32
        %dma_start3A_586 = arith.constant 0 : i32
        %dma_start3A_587 = arith.constant 0 : i32
        %dma_start3A_588 = tpu.memref_slice %arg5[%dma_start3A_585, %dma_start3A_586, %dma_start3A_587] : memref<2x16x512xf32, #tpu.memory_space<vmem>> -> memref<1x16x512xf32, #tpu.memory_space<vmem>>
        %dma_start3A_589 = tpu.memref_squeeze %dma_start3A_588 : memref<1x16x512xf32, #tpu.memory_space<vmem>> -> memref<16x512xf32, #tpu.memory_space<vmem>>
        %dma_start3A_590 = arith.constant 0 : i32
        %dma_start3A_591 = tpu.memref_slice %arg2[%shift_right_arithmetic3A_579, %multiple_of3A_584, %dma_start3A_590] : memref<16x512x512xf32, #tpu.memory_space<hbm>> -> memref<1x16x512xf32, #tpu.memory_space<hbm>>
        %dma_start3A_592 = tpu.memref_squeeze %dma_start3A_591 : memref<1x16x512xf32, #tpu.memory_space<hbm>> -> memref<16x512xf32, #tpu.memory_space<hbm>>
        %dma_start3A_593 = arith.constant 0 : i32
        %dma_start3A_594 = arith.constant 0 : i32
        %dma_start3A_595 = tpu.memref_slice %arg5[%dma_start3A_585, %dma_start3A_593, %dma_start3A_594] : memref<2x16x512xf32, #tpu.memory_space<vmem>> -> memref<1x16x512xf32, #tpu.memory_space<vmem>>
        %dma_start3A_596 = tpu.memref_squeeze %dma_start3A_595 : memref<1x16x512xf32, #tpu.memory_space<vmem>> -> memref<16x512xf32, #tpu.memory_space<vmem>>
        %dma_start3A_597 = arith.constant 0 : i32
        %dma_start3A_598 = tpu.memref_slice %arg2[%shift_right_arithmetic3A_579, %multiple_of3A_584, %dma_start3A_597] : memref<16x512x512xf32, #tpu.memory_space<hbm>> -> memref<1x16x512xf32, #tpu.memory_space<hbm>>
        %dma_start3A_599 = tpu.memref_squeeze %dma_start3A_598 : memref<1x16x512xf32, #tpu.memory_space<hbm>> -> memref<16x512xf32, #tpu.memory_space<hbm>>
        tpu.enqueue_dma source(%dma_start3A_599 : memref<16x512xf32, #tpu.memory_space<hbm>>) target(%dma_start3A_596 : memref<16x512xf32, #tpu.memory_space<vmem>>) target_semaphore(%arg9 : memref<!tpu.dma_semaphore, #tpu.memory_space<semaphore_mem>>)
        %dma_start3A_600 = arith.constant 1 : i32
        %dma_start3A_601 = arith.constant 0 : i32
        %dma_start3A_602 = arith.constant 0 : i32
        %dma_start3A_603 = tpu.memref_slice %arg6[%dma_start3A_600, %dma_start3A_601, %dma_start3A_602] : memref<2x16x512xf32, #tpu.memory_space<vmem>> -> memref<1x16x512xf32, #tpu.memory_space<vmem>>
        %dma_start3A_604 = tpu.memref_squeeze %dma_start3A_603 : memref<1x16x512xf32, #tpu.memory_space<vmem>> -> memref<16x512xf32, #tpu.memory_space<vmem>>
        %dma_start3A_605 = arith.constant 0 : i32
        %dma_start3A_606 = tpu.memref_slice %arg3[%shift_right_arithmetic3A_579, %multiple_of3A_584, %dma_start3A_605] : memref<16x512x512xf32, #tpu.memory_space<hbm>> -> memref<1x16x512xf32, #tpu.memory_space<hbm>>
        %dma_start3A_607 = tpu.memref_squeeze %dma_start3A_606 : memref<1x16x512xf32, #tpu.memory_space<hbm>> -> memref<16x512xf32, #tpu.memory_space<hbm>>
        %dma_start3A_608 = arith.constant 0 : i32
        %dma_start3A_609 = arith.constant 0 : i32
        %dma_start3A_610 = tpu.memref_slice %arg6[%dma_start3A_600, %dma_start3A_608, %dma_start3A_609] : memref<2x16x512xf32, #tpu.memory_space<vmem>> -> memref<1x16x512xf32, #tpu.memory_space<vmem>>
        %dma_start3A_611 = tpu.memref_squeeze %dma_start3A_610 : memref<1x16x512xf32, #tpu.memory_space<vmem>> -> memref<16x512xf32, #tpu.memory_space<vmem>>
        %dma_start3A_612 = arith.constant 0 : i32
        %dma_start3A_613 = tpu.memref_slice %arg3[%shift_right_arithmetic3A_579, %multiple_of3A_584, %dma_start3A_612] : memref<16x512x512xf32, #tpu.memory_space<hbm>> -> memref<1x16x512xf32, #tpu.memory_space<hbm>>
        %dma_start3A_614 = tpu.memref_squeeze %dma_start3A_613 : memref<1x16x512xf32, #tpu.memory_space<hbm>> -> memref<16x512xf32, #tpu.memory_space<hbm>>
        tpu.enqueue_dma source(%dma_start3A_614 : memref<16x512xf32, #tpu.memory_space<hbm>>) target(%dma_start3A_611 : memref<16x512xf32, #tpu.memory_space<vmem>>) target_semaphore(%arg9 : memref<!tpu.dma_semaphore, #tpu.memory_space<semaphore_mem>>)
      } else {
      }
      %scan3A_574 = arith.constant 0 : i32
      scf.yield %scan3A_574 : i32
    }
    %scan3A_89 = arith.constant 8 : i32
    %mul3A_90 = arith.constant 16 : i32
    %mul3A_91 = arith.muli %add3A, %mul3A_90 : i32
    %add3A_92 = arith.constant 0 : i32
    %add3A_93 = arith.addi %mul3A_91, %add3A_92 : i32
    %mul3A_94 = arith.constant 16 : i32
    %mul3A_95 = arith.muli %add3A, %mul3A_94 : i32
    %add3A_96 = arith.constant 1 : i32
    %add3A_97 = arith.addi %mul3A_95, %add3A_96 : i32
    %mul3A_98 = arith.constant 16 : i32
    %mul3A_99 = arith.muli %add3A, %mul3A_98 : i32
    %add3A_100 = arith.constant 2 : i32
    %add3A_101 = arith.addi %mul3A_99, %add3A_100 : i32
    %mul3A_102 = arith.constant 16 : i32
    %mul3A_103 = arith.muli %add3A, %mul3A_102 : i32
    %add3A_104 = arith.constant 3 : i32
    %add3A_105 = arith.addi %mul3A_103, %add3A_104 : i32
    %mul3A_106 = arith.constant 16 : i32
    %mul3A_107 = arith.muli %add3A, %mul3A_106 : i32
    %add3A_108 = arith.constant 4 : i32
    %add3A_109 = arith.addi %mul3A_107, %add3A_108 : i32
    %mul3A_110 = arith.constant 16 : i32
    %mul3A_111 = arith.muli %add3A, %mul3A_110 : i32
    %add3A_112 = arith.constant 5 : i32
    %add3A_113 = arith.addi %mul3A_111, %add3A_112 : i32
    %mul3A_114 = arith.constant 16 : i32
    %mul3A_115 = arith.muli %add3A, %mul3A_114 : i32
    %add3A_116 = arith.constant 6 : i32
    %add3A_117 = arith.addi %mul3A_115, %add3A_116 : i32
    %mul3A_118 = arith.constant 16 : i32
    %mul3A_119 = arith.muli %add3A, %mul3A_118 : i32
    %add3A_120 = arith.constant 7 : i32
    %add3A_121 = arith.addi %mul3A_119, %add3A_120 : i32
    %mul3A_122 = arith.constant 16 : i32
    %mul3A_123 = arith.muli %add3A, %mul3A_122 : i32
    %add3A_124 = arith.constant 8 : i32
    %add3A_125 = arith.addi %mul3A_123, %add3A_124 : i32
    %mul3A_126 = arith.constant 16 : i32
    %mul3A_127 = arith.muli %add3A, %mul3A_126 : i32
    %add3A_128 = arith.constant 9 : i32
    %add3A_129 = arith.addi %mul3A_127, %add3A_128 : i32
    %mul3A_130 = arith.constant 16 : i32
    %mul3A_131 = arith.muli %add3A, %mul3A_130 : i32
    %add3A_132 = arith.constant 10 : i32
    %add3A_133 = arith.addi %mul3A_131, %add3A_132 : i32
    %mul3A_134 = arith.constant 16 : i32
    %mul3A_135 = arith.muli %add3A, %mul3A_134 : i32
    %add3A_136 = arith.constant 11 : i32
    %add3A_137 = arith.addi %mul3A_135, %add3A_136 : i32
    %mul3A_138 = arith.constant 16 : i32
    %mul3A_139 = arith.muli %add3A, %mul3A_138 : i32
    %add3A_140 = arith.constant 12 : i32
    %add3A_141 = arith.addi %mul3A_139, %add3A_140 : i32
    %mul3A_142 = arith.constant 16 : i32
    %mul3A_143 = arith.muli %add3A, %mul3A_142 : i32
    %add3A_144 = arith.constant 13 : i32
    %add3A_145 = arith.addi %mul3A_143, %add3A_144 : i32
    %mul3A_146 = arith.constant 16 : i32
    %mul3A_147 = arith.muli %add3A, %mul3A_146 : i32
    %add3A_148 = arith.constant 14 : i32
    %add3A_149 = arith.addi %mul3A_147, %add3A_148 : i32
    %mul3A_150 = arith.constant 16 : i32
    %mul3A_151 = arith.muli %add3A, %mul3A_150 : i32
    %add3A_152 = arith.constant 15 : i32
    %add3A_153 = arith.addi %mul3A_151, %add3A_152 : i32
    %dma_start3A_154 = arith.constant 0 : i32
    %dma_start3A_155 = tpu.memref_slice %arg7[%dma_start3A_154] : memref<32768xf32, #tpu.memory_space<vmem>> -> memref<2048xf32, #tpu.memory_space<vmem>>
    %dma_start3A_156 = arith.constant 0 : i32
    %dma_start3A_157 = tpu.memref_slice %arg4[%add3A_93, %dma_start3A_156] : memref<512x2048xf32, #tpu.memory_space<hbm>> -> memref<1x2048xf32, #tpu.memory_space<hbm>>
    %dma_start3A_158 = tpu.memref_squeeze %dma_start3A_157 : memref<1x2048xf32, #tpu.memory_space<hbm>> -> memref<2048xf32, #tpu.memory_space<hbm>>
    %dma_start3A_159 = arith.constant 0 : i32
    %dma_start3A_160 = tpu.memref_slice %arg4[%add3A_93, %dma_start3A_159] : memref<512x2048xf32, #tpu.memory_space<hbm>> -> memref<1x2048xf32, #tpu.memory_space<hbm>>
    %dma_start3A_161 = tpu.memref_squeeze %dma_start3A_160 : memref<1x2048xf32, #tpu.memory_space<hbm>> -> memref<2048xf32, #tpu.memory_space<hbm>>
    %dma_start3A_162 = arith.constant 0 : i32
    %dma_start3A_163 = tpu.memref_slice %arg7[%dma_start3A_162] : memref<32768xf32, #tpu.memory_space<vmem>> -> memref<2048xf32, #tpu.memory_space<vmem>>
    tpu.enqueue_dma source(%dma_start3A_163 : memref<2048xf32, #tpu.memory_space<vmem>>) target(%dma_start3A_161 : memref<2048xf32, #tpu.memory_space<hbm>>) target_semaphore(%arg8 : memref<!tpu.dma_semaphore, #tpu.memory_space<semaphore_mem>>)
    %dma_start3A_164 = arith.constant 2048 : i32
    %dma_start3A_165 = tpu.memref_slice %arg7[%dma_start3A_164] : memref<32768xf32, #tpu.memory_space<vmem>> -> memref<2048xf32, #tpu.memory_space<vmem>>
    %dma_start3A_166 = arith.constant 0 : i32
    %dma_start3A_167 = tpu.memref_slice %arg4[%add3A_97, %dma_start3A_166] : memref<512x2048xf32, #tpu.memory_space<hbm>> -> memref<1x2048xf32, #tpu.memory_space<hbm>>
    %dma_start3A_168 = tpu.memref_squeeze %dma_start3A_167 : memref<1x2048xf32, #tpu.memory_space<hbm>> -> memref<2048xf32, #tpu.memory_space<hbm>>
    %dma_start3A_169 = arith.constant 0 : i32
    %dma_start3A_170 = tpu.memref_slice %arg4[%add3A_97, %dma_start3A_169] : memref<512x2048xf32, #tpu.memory_space<hbm>> -> memref<1x2048xf32, #tpu.memory_space<hbm>>
    %dma_start3A_171 = tpu.memref_squeeze %dma_start3A_170 : memref<1x2048xf32, #tpu.memory_space<hbm>> -> memref<2048xf32, #tpu.memory_space<hbm>>
    %dma_start3A_172 = arith.constant 2048 : i32
    %dma_start3A_173 = tpu.memref_slice %arg7[%dma_start3A_172] : memref<32768xf32, #tpu.memory_space<vmem>> -> memref<2048xf32, #tpu.memory_space<vmem>>
    tpu.enqueue_dma source(%dma_start3A_173 : memref<2048xf32, #tpu.memory_space<vmem>>) target(%dma_start3A_171 : memref<2048xf32, #tpu.memory_space<hbm>>) target_semaphore(%arg8 : memref<!tpu.dma_semaphore, #tpu.memory_space<semaphore_mem>>)
    %dma_start3A_174 = arith.constant 4096 : i32
    %dma_start3A_175 = tpu.memref_slice %arg7[%dma_start3A_174] : memref<32768xf32, #tpu.memory_space<vmem>> -> memref<2048xf32, #tpu.memory_space<vmem>>
    %dma_start3A_176 = arith.constant 0 : i32
    %dma_start3A_177 = tpu.memref_slice %arg4[%add3A_101, %dma_start3A_176] : memref<512x2048xf32, #tpu.memory_space<hbm>> -> memref<1x2048xf32, #tpu.memory_space<hbm>>
    %dma_start3A_178 = tpu.memref_squeeze %dma_start3A_177 : memref<1x2048xf32, #tpu.memory_space<hbm>> -> memref<2048xf32, #tpu.memory_space<hbm>>
    %dma_start3A_179 = arith.constant 0 : i32
    %dma_start3A_180 = tpu.memref_slice %arg4[%add3A_101, %dma_start3A_179] : memref<512x2048xf32, #tpu.memory_space<hbm>> -> memref<1x2048xf32, #tpu.memory_space<hbm>>
    %dma_start3A_181 = tpu.memref_squeeze %dma_start3A_180 : memref<1x2048xf32, #tpu.memory_space<hbm>> -> memref<2048xf32, #tpu.memory_space<hbm>>
    %dma_start3A_182 = arith.constant 4096 : i32
    %dma_start3A_183 = tpu.memref_slice %arg7[%dma_start3A_182] : memref<32768xf32, #tpu.memory_space<vmem>> -> memref<2048xf32, #tpu.memory_space<vmem>>
    tpu.enqueue_dma source(%dma_start3A_183 : memref<2048xf32, #tpu.memory_space<vmem>>) target(%dma_start3A_181 : memref<2048xf32, #tpu.memory_space<hbm>>) target_semaphore(%arg8 : memref<!tpu.dma_semaphore, #tpu.memory_space<semaphore_mem>>)
    %dma_start3A_184 = arith.constant 6144 : i32
    %dma_start3A_185 = tpu.memref_slice %arg7[%dma_start3A_184] : memref<32768xf32, #tpu.memory_space<vmem>> -> memref<2048xf32, #tpu.memory_space<vmem>>
    %dma_start3A_186 = arith.constant 0 : i32
    %dma_start3A_187 = tpu.memref_slice %arg4[%add3A_105, %dma_start3A_186] : memref<512x2048xf32, #tpu.memory_space<hbm>> -> memref<1x2048xf32, #tpu.memory_space<hbm>>
    %dma_start3A_188 = tpu.memref_squeeze %dma_start3A_187 : memref<1x2048xf32, #tpu.memory_space<hbm>> -> memref<2048xf32, #tpu.memory_space<hbm>>
    %dma_start3A_189 = arith.constant 0 : i32
    %dma_start3A_190 = tpu.memref_slice %arg4[%add3A_105, %dma_start3A_189] : memref<512x2048xf32, #tpu.memory_space<hbm>> -> memref<1x2048xf32, #tpu.memory_space<hbm>>
    %dma_start3A_191 = tpu.memref_squeeze %dma_start3A_190 : memref<1x2048xf32, #tpu.memory_space<hbm>> -> memref<2048xf32, #tpu.memory_space<hbm>>
    %dma_start3A_192 = arith.constant 6144 : i32
    %dma_start3A_193 = tpu.memref_slice %arg7[%dma_start3A_192] : memref<32768xf32, #tpu.memory_space<vmem>> -> memref<2048xf32, #tpu.memory_space<vmem>>
    tpu.enqueue_dma source(%dma_start3A_193 : memref<2048xf32, #tpu.memory_space<vmem>>) target(%dma_start3A_191 : memref<2048xf32, #tpu.memory_space<hbm>>) target_semaphore(%arg8 : memref<!tpu.dma_semaphore, #tpu.memory_space<semaphore_mem>>)
    %dma_start3A_194 = arith.constant 8192 : i32
    %dma_start3A_195 = tpu.memref_slice %arg7[%dma_start3A_194] : memref<32768xf32, #tpu.memory_space<vmem>> -> memref<2048xf32, #tpu.memory_space<vmem>>
    %dma_start3A_196 = arith.constant 0 : i32
    %dma_start3A_197 = tpu.memref_slice %arg4[%add3A_109, %dma_start3A_196] : memref<512x2048xf32, #tpu.memory_space<hbm>> -> memref<1x2048xf32, #tpu.memory_space<hbm>>
    %dma_start3A_198 = tpu.memref_squeeze %dma_start3A_197 : memref<1x2048xf32, #tpu.memory_space<hbm>> -> memref<2048xf32, #tpu.memory_space<hbm>>
    %dma_start3A_199 = arith.constant 0 : i32
    %dma_start3A_200 = tpu.memref_slice %arg4[%add3A_109, %dma_start3A_199] : memref<512x2048xf32, #tpu.memory_space<hbm>> -> memref<1x2048xf32, #tpu.memory_space<hbm>>
    %dma_start3A_201 = tpu.memref_squeeze %dma_start3A_200 : memref<1x2048xf32, #tpu.memory_space<hbm>> -> memref<2048xf32, #tpu.memory_space<hbm>>
    %dma_start3A_202 = arith.constant 8192 : i32
    %dma_start3A_203 = tpu.memref_slice %arg7[%dma_start3A_202] : memref<32768xf32, #tpu.memory_space<vmem>> -> memref<2048xf32, #tpu.memory_space<vmem>>
    tpu.enqueue_dma source(%dma_start3A_203 : memref<2048xf32, #tpu.memory_space<vmem>>) target(%dma_start3A_201 : memref<2048xf32, #tpu.memory_space<hbm>>) target_semaphore(%arg8 : memref<!tpu.dma_semaphore, #tpu.memory_space<semaphore_mem>>)
    %dma_start3A_204 = arith.constant 10240 : i32
    %dma_start3A_205 = tpu.memref_slice %arg7[%dma_start3A_204] : memref<32768xf32, #tpu.memory_space<vmem>> -> memref<2048xf32, #tpu.memory_space<vmem>>
    %dma_start3A_206 = arith.constant 0 : i32
    %dma_start3A_207 = tpu.memref_slice %arg4[%add3A_113, %dma_start3A_206] : memref<512x2048xf32, #tpu.memory_space<hbm>> -> memref<1x2048xf32, #tpu.memory_space<hbm>>
    %dma_start3A_208 = tpu.memref_squeeze %dma_start3A_207 : memref<1x2048xf32, #tpu.memory_space<hbm>> -> memref<2048xf32, #tpu.memory_space<hbm>>
    %dma_start3A_209 = arith.constant 0 : i32
    %dma_start3A_210 = tpu.memref_slice %arg4[%add3A_113, %dma_start3A_209] : memref<512x2048xf32, #tpu.memory_space<hbm>> -> memref<1x2048xf32, #tpu.memory_space<hbm>>
    %dma_start3A_211 = tpu.memref_squeeze %dma_start3A_210 : memref<1x2048xf32, #tpu.memory_space<hbm>> -> memref<2048xf32, #tpu.memory_space<hbm>>
    %dma_start3A_212 = arith.constant 10240 : i32
    %dma_start3A_213 = tpu.memref_slice %arg7[%dma_start3A_212] : memref<32768xf32, #tpu.memory_space<vmem>> -> memref<2048xf32, #tpu.memory_space<vmem>>
    tpu.enqueue_dma source(%dma_start3A_213 : memref<2048xf32, #tpu.memory_space<vmem>>) target(%dma_start3A_211 : memref<2048xf32, #tpu.memory_space<hbm>>) target_semaphore(%arg8 : memref<!tpu.dma_semaphore, #tpu.memory_space<semaphore_mem>>)
    %dma_start3A_214 = arith.constant 12288 : i32
    %dma_start3A_215 = tpu.memref_slice %arg7[%dma_start3A_214] : memref<32768xf32, #tpu.memory_space<vmem>> -> memref<2048xf32, #tpu.memory_space<vmem>>
    %dma_start3A_216 = arith.constant 0 : i32
    %dma_start3A_217 = tpu.memref_slice %arg4[%add3A_117, %dma_start3A_216] : memref<512x2048xf32, #tpu.memory_space<hbm>> -> memref<1x2048xf32, #tpu.memory_space<hbm>>
    %dma_start3A_218 = tpu.memref_squeeze %dma_start3A_217 : memref<1x2048xf32, #tpu.memory_space<hbm>> -> memref<2048xf32, #tpu.memory_space<hbm>>
    %dma_start3A_219 = arith.constant 0 : i32
    %dma_start3A_220 = tpu.memref_slice %arg4[%add3A_117, %dma_start3A_219] : memref<512x2048xf32, #tpu.memory_space<hbm>> -> memref<1x2048xf32, #tpu.memory_space<hbm>>
    %dma_start3A_221 = tpu.memref_squeeze %dma_start3A_220 : memref<1x2048xf32, #tpu.memory_space<hbm>> -> memref<2048xf32, #tpu.memory_space<hbm>>
    %dma_start3A_222 = arith.constant 12288 : i32
    %dma_start3A_223 = tpu.memref_slice %arg7[%dma_start3A_222] : memref<32768xf32, #tpu.memory_space<vmem>> -> memref<2048xf32, #tpu.memory_space<vmem>>
    tpu.enqueue_dma source(%dma_start3A_223 : memref<2048xf32, #tpu.memory_space<vmem>>) target(%dma_start3A_221 : memref<2048xf32, #tpu.memory_space<hbm>>) target_semaphore(%arg8 : memref<!tpu.dma_semaphore, #tpu.memory_space<semaphore_mem>>)
    %dma_start3A_224 = arith.constant 14336 : i32
    %dma_start3A_225 = tpu.memref_slice %arg7[%dma_start3A_224] : memref<32768xf32, #tpu.memory_space<vmem>> -> memref<2048xf32, #tpu.memory_space<vmem>>
    %dma_start3A_226 = arith.constant 0 : i32
    %dma_start3A_227 = tpu.memref_slice %arg4[%add3A_121, %dma_start3A_226] : memref<512x2048xf32, #tpu.memory_space<hbm>> -> memref<1x2048xf32, #tpu.memory_space<hbm>>
    %dma_start3A_228 = tpu.memref_squeeze %dma_start3A_227 : memref<1x2048xf32, #tpu.memory_space<hbm>> -> memref<2048xf32, #tpu.memory_space<hbm>>
    %dma_start3A_229 = arith.constant 0 : i32
    %dma_start3A_230 = tpu.memref_slice %arg4[%add3A_121, %dma_start3A_229] : memref<512x2048xf32, #tpu.memory_space<hbm>> -> memref<1x2048xf32, #tpu.memory_space<hbm>>
    %dma_start3A_231 = tpu.memref_squeeze %dma_start3A_230 : memref<1x2048xf32, #tpu.memory_space<hbm>> -> memref<2048xf32, #tpu.memory_space<hbm>>
    %dma_start3A_232 = arith.constant 14336 : i32
    %dma_start3A_233 = tpu.memref_slice %arg7[%dma_start3A_232] : memref<32768xf32, #tpu.memory_space<vmem>> -> memref<2048xf32, #tpu.memory_space<vmem>>
    tpu.enqueue_dma source(%dma_start3A_233 : memref<2048xf32, #tpu.memory_space<vmem>>) target(%dma_start3A_231 : memref<2048xf32, #tpu.memory_space<hbm>>) target_semaphore(%arg8 : memref<!tpu.dma_semaphore, #tpu.memory_space<semaphore_mem>>)
    %dma_start3A_234 = arith.constant 16384 : i32
    %dma_start3A_235 = tpu.memref_slice %arg7[%dma_start3A_234] : memref<32768xf32, #tpu.memory_space<vmem>> -> memref<2048xf32, #tpu.memory_space<vmem>>
    %dma_start3A_236 = arith.constant 0 : i32
    %dma_start3A_237 = tpu.memref_slice %arg4[%add3A_125, %dma_start3A_236] : memref<512x2048xf32, #tpu.memory_space<hbm>> -> memref<1x2048xf32, #tpu.memory_space<hbm>>
    %dma_start3A_238 = tpu.memref_squeeze %dma_start3A_237 : memref<1x2048xf32, #tpu.memory_space<hbm>> -> memref<2048xf32, #tpu.memory_space<hbm>>
    %dma_start3A_239 = arith.constant 0 : i32
    %dma_start3A_240 = tpu.memref_slice %arg4[%add3A_125, %dma_start3A_239] : memref<512x2048xf32, #tpu.memory_space<hbm>> -> memref<1x2048xf32, #tpu.memory_space<hbm>>
    %dma_start3A_241 = tpu.memref_squeeze %dma_start3A_240 : memref<1x2048xf32, #tpu.memory_space<hbm>> -> memref<2048xf32, #tpu.memory_space<hbm>>
    %dma_start3A_242 = arith.constant 16384 : i32
    %dma_start3A_243 = tpu.memref_slice %arg7[%dma_start3A_242] : memref<32768xf32, #tpu.memory_space<vmem>> -> memref<2048xf32, #tpu.memory_space<vmem>>
    tpu.enqueue_dma source(%dma_start3A_243 : memref<2048xf32, #tpu.memory_space<vmem>>) target(%dma_start3A_241 : memref<2048xf32, #tpu.memory_space<hbm>>) target_semaphore(%arg8 : memref<!tpu.dma_semaphore, #tpu.memory_space<semaphore_mem>>)
    %dma_start3A_244 = arith.constant 18432 : i32
    %dma_start3A_245 = tpu.memref_slice %arg7[%dma_start3A_244] : memref<32768xf32, #tpu.memory_space<vmem>> -> memref<2048xf32, #tpu.memory_space<vmem>>
    %dma_start3A_246 = arith.constant 0 : i32
    %dma_start3A_247 = tpu.memref_slice %arg4[%add3A_129, %dma_start3A_246] : memref<512x2048xf32, #tpu.memory_space<hbm>> -> memref<1x2048xf32, #tpu.memory_space<hbm>>
    %dma_start3A_248 = tpu.memref_squeeze %dma_start3A_247 : memref<1x2048xf32, #tpu.memory_space<hbm>> -> memref<2048xf32, #tpu.memory_space<hbm>>
    %dma_start3A_249 = arith.constant 0 : i32
    %dma_start3A_250 = tpu.memref_slice %arg4[%add3A_129, %dma_start3A_249] : memref<512x2048xf32, #tpu.memory_space<hbm>> -> memref<1x2048xf32, #tpu.memory_space<hbm>>
    %dma_start3A_251 = tpu.memref_squeeze %dma_start3A_250 : memref<1x2048xf32, #tpu.memory_space<hbm>> -> memref<2048xf32, #tpu.memory_space<hbm>>
    %dma_start3A_252 = arith.constant 18432 : i32
    %dma_start3A_253 = tpu.memref_slice %arg7[%dma_start3A_252] : memref<32768xf32, #tpu.memory_space<vmem>> -> memref<2048xf32, #tpu.memory_space<vmem>>
    tpu.enqueue_dma source(%dma_start3A_253 : memref<2048xf32, #tpu.memory_space<vmem>>) target(%dma_start3A_251 : memref<2048xf32, #tpu.memory_space<hbm>>) target_semaphore(%arg8 : memref<!tpu.dma_semaphore, #tpu.memory_space<semaphore_mem>>)
    %dma_start3A_254 = arith.constant 20480 : i32
    %dma_start3A_255 = tpu.memref_slice %arg7[%dma_start3A_254] : memref<32768xf32, #tpu.memory_space<vmem>> -> memref<2048xf32, #tpu.memory_space<vmem>>
    %dma_start3A_256 = arith.constant 0 : i32
    %dma_start3A_257 = tpu.memref_slice %arg4[%add3A_133, %dma_start3A_256] : memref<512x2048xf32, #tpu.memory_space<hbm>> -> memref<1x2048xf32, #tpu.memory_space<hbm>>
    %dma_start3A_258 = tpu.memref_squeeze %dma_start3A_257 : memref<1x2048xf32, #tpu.memory_space<hbm>> -> memref<2048xf32, #tpu.memory_space<hbm>>
    %dma_start3A_259 = arith.constant 0 : i32
    %dma_start3A_260 = tpu.memref_slice %arg4[%add3A_133, %dma_start3A_259] : memref<512x2048xf32, #tpu.memory_space<hbm>> -> memref<1x2048xf32, #tpu.memory_space<hbm>>
    %dma_start3A_261 = tpu.memref_squeeze %dma_start3A_260 : memref<1x2048xf32, #tpu.memory_space<hbm>> -> memref<2048xf32, #tpu.memory_space<hbm>>
    %dma_start3A_262 = arith.constant 20480 : i32
    %dma_start3A_263 = tpu.memref_slice %arg7[%dma_start3A_262] : memref<32768xf32, #tpu.memory_space<vmem>> -> memref<2048xf32, #tpu.memory_space<vmem>>
    tpu.enqueue_dma source(%dma_start3A_263 : memref<2048xf32, #tpu.memory_space<vmem>>) target(%dma_start3A_261 : memref<2048xf32, #tpu.memory_space<hbm>>) target_semaphore(%arg8 : memref<!tpu.dma_semaphore, #tpu.memory_space<semaphore_mem>>)
    %dma_start3A_264 = arith.constant 22528 : i32
    %dma_start3A_265 = tpu.memref_slice %arg7[%dma_start3A_264] : memref<32768xf32, #tpu.memory_space<vmem>> -> memref<2048xf32, #tpu.memory_space<vmem>>
    %dma_start3A_266 = arith.constant 0 : i32
    %dma_start3A_267 = tpu.memref_slice %arg4[%add3A_137, %dma_start3A_266] : memref<512x2048xf32, #tpu.memory_space<hbm>> -> memref<1x2048xf32, #tpu.memory_space<hbm>>
    %dma_start3A_268 = tpu.memref_squeeze %dma_start3A_267 : memref<1x2048xf32, #tpu.memory_space<hbm>> -> memref<2048xf32, #tpu.memory_space<hbm>>
    %dma_start3A_269 = arith.constant 0 : i32
    %dma_start3A_270 = tpu.memref_slice %arg4[%add3A_137, %dma_start3A_269] : memref<512x2048xf32, #tpu.memory_space<hbm>> -> memref<1x2048xf32, #tpu.memory_space<hbm>>
    %dma_start3A_271 = tpu.memref_squeeze %dma_start3A_270 : memref<1x2048xf32, #tpu.memory_space<hbm>> -> memref<2048xf32, #tpu.memory_space<hbm>>
    %dma_start3A_272 = arith.constant 22528 : i32
    %dma_start3A_273 = tpu.memref_slice %arg7[%dma_start3A_272] : memref<32768xf32, #tpu.memory_space<vmem>> -> memref<2048xf32, #tpu.memory_space<vmem>>
    tpu.enqueue_dma source(%dma_start3A_273 : memref<2048xf32, #tpu.memory_space<vmem>>) target(%dma_start3A_271 : memref<2048xf32, #tpu.memory_space<hbm>>) target_semaphore(%arg8 : memref<!tpu.dma_semaphore, #tpu.memory_space<semaphore_mem>>)
    %dma_start3A_274 = arith.constant 24576 : i32
    %dma_start3A_275 = tpu.memref_slice %arg7[%dma_start3A_274] : memref<32768xf32, #tpu.memory_space<vmem>> -> memref<2048xf32, #tpu.memory_space<vmem>>
    %dma_start3A_276 = arith.constant 0 : i32
    %dma_start3A_277 = tpu.memref_slice %arg4[%add3A_141, %dma_start3A_276] : memref<512x2048xf32, #tpu.memory_space<hbm>> -> memref<1x2048xf32, #tpu.memory_space<hbm>>
    %dma_start3A_278 = tpu.memref_squeeze %dma_start3A_277 : memref<1x2048xf32, #tpu.memory_space<hbm>> -> memref<2048xf32, #tpu.memory_space<hbm>>
    %dma_start3A_279 = arith.constant 0 : i32
    %dma_start3A_280 = tpu.memref_slice %arg4[%add3A_141, %dma_start3A_279] : memref<512x2048xf32, #tpu.memory_space<hbm>> -> memref<1x2048xf32, #tpu.memory_space<hbm>>
    %dma_start3A_281 = tpu.memref_squeeze %dma_start3A_280 : memref<1x2048xf32, #tpu.memory_space<hbm>> -> memref<2048xf32, #tpu.memory_space<hbm>>
    %dma_start3A_282 = arith.constant 24576 : i32
    %dma_start3A_283 = tpu.memref_slice %arg7[%dma_start3A_282] : memref<32768xf32, #tpu.memory_space<vmem>> -> memref<2048xf32, #tpu.memory_space<vmem>>
    tpu.enqueue_dma source(%dma_start3A_283 : memref<2048xf32, #tpu.memory_space<vmem>>) target(%dma_start3A_281 : memref<2048xf32, #tpu.memory_space<hbm>>) target_semaphore(%arg8 : memref<!tpu.dma_semaphore, #tpu.memory_space<semaphore_mem>>)
    %dma_start3A_284 = arith.constant 26624 : i32
    %dma_start3A_285 = tpu.memref_slice %arg7[%dma_start3A_284] : memref<32768xf32, #tpu.memory_space<vmem>> -> memref<2048xf32, #tpu.memory_space<vmem>>
    %dma_start3A_286 = arith.constant 0 : i32
    %dma_start3A_287 = tpu.memref_slice %arg4[%add3A_145, %dma_start3A_286] : memref<512x2048xf32, #tpu.memory_space<hbm>> -> memref<1x2048xf32, #tpu.memory_space<hbm>>
    %dma_start3A_288 = tpu.memref_squeeze %dma_start3A_287 : memref<1x2048xf32, #tpu.memory_space<hbm>> -> memref<2048xf32, #tpu.memory_space<hbm>>
    %dma_start3A_289 = arith.constant 0 : i32
    %dma_start3A_290 = tpu.memref_slice %arg4[%add3A_145, %dma_start3A_289] : memref<512x2048xf32, #tpu.memory_space<hbm>> -> memref<1x2048xf32, #tpu.memory_space<hbm>>
    %dma_start3A_291 = tpu.memref_squeeze %dma_start3A_290 : memref<1x2048xf32, #tpu.memory_space<hbm>> -> memref<2048xf32, #tpu.memory_space<hbm>>
    %dma_start3A_292 = arith.constant 26624 : i32
    %dma_start3A_293 = tpu.memref_slice %arg7[%dma_start3A_292] : memref<32768xf32, #tpu.memory_space<vmem>> -> memref<2048xf32, #tpu.memory_space<vmem>>
    tpu.enqueue_dma source(%dma_start3A_293 : memref<2048xf32, #tpu.memory_space<vmem>>) target(%dma_start3A_291 : memref<2048xf32, #tpu.memory_space<hbm>>) target_semaphore(%arg8 : memref<!tpu.dma_semaphore, #tpu.memory_space<semaphore_mem>>)
    %dma_start3A_294 = arith.constant 28672 : i32
    %dma_start3A_295 = tpu.memref_slice %arg7[%dma_start3A_294] : memref<32768xf32, #tpu.memory_space<vmem>> -> memref<2048xf32, #tpu.memory_space<vmem>>
    %dma_start3A_296 = arith.constant 0 : i32
    %dma_start3A_297 = tpu.memref_slice %arg4[%add3A_149, %dma_start3A_296] : memref<512x2048xf32, #tpu.memory_space<hbm>> -> memref<1x2048xf32, #tpu.memory_space<hbm>>
    %dma_start3A_298 = tpu.memref_squeeze %dma_start3A_297 : memref<1x2048xf32, #tpu.memory_space<hbm>> -> memref<2048xf32, #tpu.memory_space<hbm>>
    %dma_start3A_299 = arith.constant 0 : i32
    %dma_start3A_300 = tpu.memref_slice %arg4[%add3A_149, %dma_start3A_299] : memref<512x2048xf32, #tpu.memory_space<hbm>> -> memref<1x2048xf32, #tpu.memory_space<hbm>>
    %dma_start3A_301 = tpu.memref_squeeze %dma_start3A_300 : memref<1x2048xf32, #tpu.memory_space<hbm>> -> memref<2048xf32, #tpu.memory_space<hbm>>
    %dma_start3A_302 = arith.constant 28672 : i32
    %dma_start3A_303 = tpu.memref_slice %arg7[%dma_start3A_302] : memref<32768xf32, #tpu.memory_space<vmem>> -> memref<2048xf32, #tpu.memory_space<vmem>>
    tpu.enqueue_dma source(%dma_start3A_303 : memref<2048xf32, #tpu.memory_space<vmem>>) target(%dma_start3A_301 : memref<2048xf32, #tpu.memory_space<hbm>>) target_semaphore(%arg8 : memref<!tpu.dma_semaphore, #tpu.memory_space<semaphore_mem>>)
    %dma_start3A_304 = arith.constant 30720 : i32
    %dma_start3A_305 = tpu.memref_slice %arg7[%dma_start3A_304] : memref<32768xf32, #tpu.memory_space<vmem>> -> memref<2048xf32, #tpu.memory_space<vmem>>
    %dma_start3A_306 = arith.constant 0 : i32
    %dma_start3A_307 = tpu.memref_slice %arg4[%add3A_153, %dma_start3A_306] : memref<512x2048xf32, #tpu.memory_space<hbm>> -> memref<1x2048xf32, #tpu.memory_space<hbm>>
    %dma_start3A_308 = tpu.memref_squeeze %dma_start3A_307 : memref<1x2048xf32, #tpu.memory_space<hbm>> -> memref<2048xf32, #tpu.memory_space<hbm>>
    %dma_start3A_309 = arith.constant 0 : i32
    %dma_start3A_310 = tpu.memref_slice %arg4[%add3A_153, %dma_start3A_309] : memref<512x2048xf32, #tpu.memory_space<hbm>> -> memref<1x2048xf32, #tpu.memory_space<hbm>>
    %dma_start3A_311 = tpu.memref_squeeze %dma_start3A_310 : memref<1x2048xf32, #tpu.memory_space<hbm>> -> memref<2048xf32, #tpu.memory_space<hbm>>
    %dma_start3A_312 = arith.constant 30720 : i32
    %dma_start3A_313 = tpu.memref_slice %arg7[%dma_start3A_312] : memref<32768xf32, #tpu.memory_space<vmem>> -> memref<2048xf32, #tpu.memory_space<vmem>>
    tpu.enqueue_dma source(%dma_start3A_313 : memref<2048xf32, #tpu.memory_space<vmem>>) target(%dma_start3A_311 : memref<2048xf32, #tpu.memory_space<hbm>>) target_semaphore(%arg8 : memref<!tpu.dma_semaphore, #tpu.memory_space<semaphore_mem>>)
    %dma_wait3A = arith.constant 0 : i32
    %dma_wait3A_314 = tpu.memref_slice %arg7[%dma_wait3A] : memref<32768xf32, #tpu.memory_space<vmem>> -> memref<2048xf32, #tpu.memory_space<vmem>>
    %dma_wait3A_315 = arith.constant 0 : i32
    %dma_wait3A_316 = tpu.memref_slice %arg4[%add3A_93, %dma_wait3A_315] : memref<512x2048xf32, #tpu.memory_space<hbm>> -> memref<1x2048xf32, #tpu.memory_space<hbm>>
    %dma_wait3A_317 = tpu.memref_squeeze %dma_wait3A_316 : memref<1x2048xf32, #tpu.memory_space<hbm>> -> memref<2048xf32, #tpu.memory_space<hbm>>
    %dma_wait3A_318 = arith.constant 0 : i32
    %dma_wait3A_319 = tpu.memref_slice %arg4[%add3A_93, %dma_wait3A_318] : memref<512x2048xf32, #tpu.memory_space<hbm>> -> memref<1x2048xf32, #tpu.memory_space<hbm>>
    %dma_wait3A_320 = tpu.memref_squeeze %dma_wait3A_319 : memref<1x2048xf32, #tpu.memory_space<hbm>> -> memref<2048xf32, #tpu.memory_space<hbm>>
    %dma_wait3A_321 = arith.constant 0 : i32
    %dma_wait3A_322 = tpu.memref_slice %arg7[%dma_wait3A_321] : memref<32768xf32, #tpu.memory_space<vmem>> -> memref<2048xf32, #tpu.memory_space<vmem>>
    tpu.wait_dma2 semaphore(%arg8 : memref<!tpu.dma_semaphore, #tpu.memory_space<semaphore_mem>>) src(%dma_wait3A_322 : memref<2048xf32, #tpu.memory_space<vmem>>) dst(%dma_wait3A_320 : memref<2048xf32, #tpu.memory_space<hbm>>)
    %dma_wait3A_323 = arith.constant 2048 : i32
    %dma_wait3A_324 = tpu.memref_slice %arg7[%dma_wait3A_323] : memref<32768xf32, #tpu.memory_space<vmem>> -> memref<2048xf32, #tpu.memory_space<vmem>>
    %dma_wait3A_325 = arith.constant 0 : i32
    %dma_wait3A_326 = tpu.memref_slice %arg4[%add3A_97, %dma_wait3A_325] : memref<512x2048xf32, #tpu.memory_space<hbm>> -> memref<1x2048xf32, #tpu.memory_space<hbm>>
    %dma_wait3A_327 = tpu.memref_squeeze %dma_wait3A_326 : memref<1x2048xf32, #tpu.memory_space<hbm>> -> memref<2048xf32, #tpu.memory_space<hbm>>
    %dma_wait3A_328 = arith.constant 0 : i32
    %dma_wait3A_329 = tpu.memref_slice %arg4[%add3A_97, %dma_wait3A_328] : memref<512x2048xf32, #tpu.memory_space<hbm>> -> memref<1x2048xf32, #tpu.memory_space<hbm>>
    %dma_wait3A_330 = tpu.memref_squeeze %dma_wait3A_329 : memref<1x2048xf32, #tpu.memory_space<hbm>> -> memref<2048xf32, #tpu.memory_space<hbm>>
    %dma_wait3A_331 = arith.constant 2048 : i32
    %dma_wait3A_332 = tpu.memref_slice %arg7[%dma_wait3A_331] : memref<32768xf32, #tpu.memory_space<vmem>> -> memref<2048xf32, #tpu.memory_space<vmem>>
    tpu.wait_dma2 semaphore(%arg8 : memref<!tpu.dma_semaphore, #tpu.memory_space<semaphore_mem>>) src(%dma_wait3A_332 : memref<2048xf32, #tpu.memory_space<vmem>>) dst(%dma_wait3A_330 : memref<2048xf32, #tpu.memory_space<hbm>>)
    %dma_wait3A_333 = arith.constant 4096 : i32
    %dma_wait3A_334 = tpu.memref_slice %arg7[%dma_wait3A_333] : memref<32768xf32, #tpu.memory_space<vmem>> -> memref<2048xf32, #tpu.memory_space<vmem>>
    %dma_wait3A_335 = arith.constant 0 : i32
    %dma_wait3A_336 = tpu.memref_slice %arg4[%add3A_101, %dma_wait3A_335] : memref<512x2048xf32, #tpu.memory_space<hbm>> -> memref<1x2048xf32, #tpu.memory_space<hbm>>
    %dma_wait3A_337 = tpu.memref_squeeze %dma_wait3A_336 : memref<1x2048xf32, #tpu.memory_space<hbm>> -> memref<2048xf32, #tpu.memory_space<hbm>>
    %dma_wait3A_338 = arith.constant 0 : i32
    %dma_wait3A_339 = tpu.memref_slice %arg4[%add3A_101, %dma_wait3A_338] : memref<512x2048xf32, #tpu.memory_space<hbm>> -> memref<1x2048xf32, #tpu.memory_space<hbm>>
    %dma_wait3A_340 = tpu.memref_squeeze %dma_wait3A_339 : memref<1x2048xf32, #tpu.memory_space<hbm>> -> memref<2048xf32, #tpu.memory_space<hbm>>
    %dma_wait3A_341 = arith.constant 4096 : i32
    %dma_wait3A_342 = tpu.memref_slice %arg7[%dma_wait3A_341] : memref<32768xf32, #tpu.memory_space<vmem>> -> memref<2048xf32, #tpu.memory_space<vmem>>
    tpu.wait_dma2 semaphore(%arg8 : memref<!tpu.dma_semaphore, #tpu.memory_space<semaphore_mem>>) src(%dma_wait3A_342 : memref<2048xf32, #tpu.memory_space<vmem>>) dst(%dma_wait3A_340 : memref<2048xf32, #tpu.memory_space<hbm>>)
    %dma_wait3A_343 = arith.constant 6144 : i32
    %dma_wait3A_344 = tpu.memref_slice %arg7[%dma_wait3A_343] : memref<32768xf32, #tpu.memory_space<vmem>> -> memref<2048xf32, #tpu.memory_space<vmem>>
    %dma_wait3A_345 = arith.constant 0 : i32
    %dma_wait3A_346 = tpu.memref_slice %arg4[%add3A_105, %dma_wait3A_345] : memref<512x2048xf32, #tpu.memory_space<hbm>> -> memref<1x2048xf32, #tpu.memory_space<hbm>>
    %dma_wait3A_347 = tpu.memref_squeeze %dma_wait3A_346 : memref<1x2048xf32, #tpu.memory_space<hbm>> -> memref<2048xf32, #tpu.memory_space<hbm>>
    %dma_wait3A_348 = arith.constant 0 : i32
    %dma_wait3A_349 = tpu.memref_slice %arg4[%add3A_105, %dma_wait3A_348] : memref<512x2048xf32, #tpu.memory_space<hbm>> -> memref<1x2048xf32, #tpu.memory_space<hbm>>
    %dma_wait3A_350 = tpu.memref_squeeze %dma_wait3A_349 : memref<1x2048xf32, #tpu.memory_space<hbm>> -> memref<2048xf32, #tpu.memory_space<hbm>>
    %dma_wait3A_351 = arith.constant 6144 : i32
    %dma_wait3A_352 = tpu.memref_slice %arg7[%dma_wait3A_351] : memref<32768xf32, #tpu.memory_space<vmem>> -> memref<2048xf32, #tpu.memory_space<vmem>>
    tpu.wait_dma2 semaphore(%arg8 : memref<!tpu.dma_semaphore, #tpu.memory_space<semaphore_mem>>) src(%dma_wait3A_352 : memref<2048xf32, #tpu.memory_space<vmem>>) dst(%dma_wait3A_350 : memref<2048xf32, #tpu.memory_space<hbm>>)
    %dma_wait3A_353 = arith.constant 8192 : i32
    %dma_wait3A_354 = tpu.memref_slice %arg7[%dma_wait3A_353] : memref<32768xf32, #tpu.memory_space<vmem>> -> memref<2048xf32, #tpu.memory_space<vmem>>
    %dma_wait3A_355 = arith.constant 0 : i32
    %dma_wait3A_356 = tpu.memref_slice %arg4[%add3A_109, %dma_wait3A_355] : memref<512x2048xf32, #tpu.memory_space<hbm>> -> memref<1x2048xf32, #tpu.memory_space<hbm>>
    %dma_wait3A_357 = tpu.memref_squeeze %dma_wait3A_356 : memref<1x2048xf32, #tpu.memory_space<hbm>> -> memref<2048xf32, #tpu.memory_space<hbm>>
    %dma_wait3A_358 = arith.constant 0 : i32
    %dma_wait3A_359 = tpu.memref_slice %arg4[%add3A_109, %dma_wait3A_358] : memref<512x2048xf32, #tpu.memory_space<hbm>> -> memref<1x2048xf32, #tpu.memory_space<hbm>>
    %dma_wait3A_360 = tpu.memref_squeeze %dma_wait3A_359 : memref<1x2048xf32, #tpu.memory_space<hbm>> -> memref<2048xf32, #tpu.memory_space<hbm>>
    %dma_wait3A_361 = arith.constant 8192 : i32
    %dma_wait3A_362 = tpu.memref_slice %arg7[%dma_wait3A_361] : memref<32768xf32, #tpu.memory_space<vmem>> -> memref<2048xf32, #tpu.memory_space<vmem>>
    tpu.wait_dma2 semaphore(%arg8 : memref<!tpu.dma_semaphore, #tpu.memory_space<semaphore_mem>>) src(%dma_wait3A_362 : memref<2048xf32, #tpu.memory_space<vmem>>) dst(%dma_wait3A_360 : memref<2048xf32, #tpu.memory_space<hbm>>)
    %dma_wait3A_363 = arith.constant 10240 : i32
    %dma_wait3A_364 = tpu.memref_slice %arg7[%dma_wait3A_363] : memref<32768xf32, #tpu.memory_space<vmem>> -> memref<2048xf32, #tpu.memory_space<vmem>>
    %dma_wait3A_365 = arith.constant 0 : i32
    %dma_wait3A_366 = tpu.memref_slice %arg4[%add3A_113, %dma_wait3A_365] : memref<512x2048xf32, #tpu.memory_space<hbm>> -> memref<1x2048xf32, #tpu.memory_space<hbm>>
    %dma_wait3A_367 = tpu.memref_squeeze %dma_wait3A_366 : memref<1x2048xf32, #tpu.memory_space<hbm>> -> memref<2048xf32, #tpu.memory_space<hbm>>
    %dma_wait3A_368 = arith.constant 0 : i32
    %dma_wait3A_369 = tpu.memref_slice %arg4[%add3A_113, %dma_wait3A_368] : memref<512x2048xf32, #tpu.memory_space<hbm>> -> memref<1x2048xf32, #tpu.memory_space<hbm>>
    %dma_wait3A_370 = tpu.memref_squeeze %dma_wait3A_369 : memref<1x2048xf32, #tpu.memory_space<hbm>> -> memref<2048xf32, #tpu.memory_space<hbm>>
    %dma_wait3A_371 = arith.constant 10240 : i32
    %dma_wait3A_372 = tpu.memref_slice %arg7[%dma_wait3A_371] : memref<32768xf32, #tpu.memory_space<vmem>> -> memref<2048xf32, #tpu.memory_space<vmem>>
    tpu.wait_dma2 semaphore(%arg8 : memref<!tpu.dma_semaphore, #tpu.memory_space<semaphore_mem>>) src(%dma_wait3A_372 : memref<2048xf32, #tpu.memory_space<vmem>>) dst(%dma_wait3A_370 : memref<2048xf32, #tpu.memory_space<hbm>>)
    %dma_wait3A_373 = arith.constant 12288 : i32
    %dma_wait3A_374 = tpu.memref_slice %arg7[%dma_wait3A_373] : memref<32768xf32, #tpu.memory_space<vmem>> -> memref<2048xf32, #tpu.memory_space<vmem>>
    %dma_wait3A_375 = arith.constant 0 : i32
    %dma_wait3A_376 = tpu.memref_slice %arg4[%add3A_117, %dma_wait3A_375] : memref<512x2048xf32, #tpu.memory_space<hbm>> -> memref<1x2048xf32, #tpu.memory_space<hbm>>
    %dma_wait3A_377 = tpu.memref_squeeze %dma_wait3A_376 : memref<1x2048xf32, #tpu.memory_space<hbm>> -> memref<2048xf32, #tpu.memory_space<hbm>>
    %dma_wait3A_378 = arith.constant 0 : i32
    %dma_wait3A_379 = tpu.memref_slice %arg4[%add3A_117, %dma_wait3A_378] : memref<512x2048xf32, #tpu.memory_space<hbm>> -> memref<1x2048xf32, #tpu.memory_space<hbm>>
    %dma_wait3A_380 = tpu.memref_squeeze %dma_wait3A_379 : memref<1x2048xf32, #tpu.memory_space<hbm>> -> memref<2048xf32, #tpu.memory_space<hbm>>
    %dma_wait3A_381 = arith.constant 12288 : i32
    %dma_wait3A_382 = tpu.memref_slice %arg7[%dma_wait3A_381] : memref<32768xf32, #tpu.memory_space<vmem>> -> memref<2048xf32, #tpu.memory_space<vmem>>
    tpu.wait_dma2 semaphore(%arg8 : memref<!tpu.dma_semaphore, #tpu.memory_space<semaphore_mem>>) src(%dma_wait3A_382 : memref<2048xf32, #tpu.memory_space<vmem>>) dst(%dma_wait3A_380 : memref<2048xf32, #tpu.memory_space<hbm>>)
    %dma_wait3A_383 = arith.constant 14336 : i32
    %dma_wait3A_384 = tpu.memref_slice %arg7[%dma_wait3A_383] : memref<32768xf32, #tpu.memory_space<vmem>> -> memref<2048xf32, #tpu.memory_space<vmem>>
    %dma_wait3A_385 = arith.constant 0 : i32
    %dma_wait3A_386 = tpu.memref_slice %arg4[%add3A_121, %dma_wait3A_385] : memref<512x2048xf32, #tpu.memory_space<hbm>> -> memref<1x2048xf32, #tpu.memory_space<hbm>>
    %dma_wait3A_387 = tpu.memref_squeeze %dma_wait3A_386 : memref<1x2048xf32, #tpu.memory_space<hbm>> -> memref<2048xf32, #tpu.memory_space<hbm>>
    %dma_wait3A_388 = arith.constant 0 : i32
    %dma_wait3A_389 = tpu.memref_slice %arg4[%add3A_121, %dma_wait3A_388] : memref<512x2048xf32, #tpu.memory_space<hbm>> -> memref<1x2048xf32, #tpu.memory_space<hbm>>
    %dma_wait3A_390 = tpu.memref_squeeze %dma_wait3A_389 : memref<1x2048xf32, #tpu.memory_space<hbm>> -> memref<2048xf32, #tpu.memory_space<hbm>>
    %dma_wait3A_391 = arith.constant 14336 : i32
    %dma_wait3A_392 = tpu.memref_slice %arg7[%dma_wait3A_391] : memref<32768xf32, #tpu.memory_space<vmem>> -> memref<2048xf32, #tpu.memory_space<vmem>>
    tpu.wait_dma2 semaphore(%arg8 : memref<!tpu.dma_semaphore, #tpu.memory_space<semaphore_mem>>) src(%dma_wait3A_392 : memref<2048xf32, #tpu.memory_space<vmem>>) dst(%dma_wait3A_390 : memref<2048xf32, #tpu.memory_space<hbm>>)
    %dma_wait3A_393 = arith.constant 16384 : i32
    %dma_wait3A_394 = tpu.memref_slice %arg7[%dma_wait3A_393] : memref<32768xf32, #tpu.memory_space<vmem>> -> memref<2048xf32, #tpu.memory_space<vmem>>
    %dma_wait3A_395 = arith.constant 0 : i32
    %dma_wait3A_396 = tpu.memref_slice %arg4[%add3A_125, %dma_wait3A_395] : memref<512x2048xf32, #tpu.memory_space<hbm>> -> memref<1x2048xf32, #tpu.memory_space<hbm>>
    %dma_wait3A_397 = tpu.memref_squeeze %dma_wait3A_396 : memref<1x2048xf32, #tpu.memory_space<hbm>> -> memref<2048xf32, #tpu.memory_space<hbm>>
    %dma_wait3A_398 = arith.constant 0 : i32
    %dma_wait3A_399 = tpu.memref_slice %arg4[%add3A_125, %dma_wait3A_398] : memref<512x2048xf32, #tpu.memory_space<hbm>> -> memref<1x2048xf32, #tpu.memory_space<hbm>>
    %dma_wait3A_400 = tpu.memref_squeeze %dma_wait3A_399 : memref<1x2048xf32, #tpu.memory_space<hbm>> -> memref<2048xf32, #tpu.memory_space<hbm>>
    %dma_wait3A_401 = arith.constant 16384 : i32
    %dma_wait3A_402 = tpu.memref_slice %arg7[%dma_wait3A_401] : memref<32768xf32, #tpu.memory_space<vmem>> -> memref<2048xf32, #tpu.memory_space<vmem>>
    tpu.wait_dma2 semaphore(%arg8 : memref<!tpu.dma_semaphore, #tpu.memory_space<semaphore_mem>>) src(%dma_wait3A_402 : memref<2048xf32, #tpu.memory_space<vmem>>) dst(%dma_wait3A_400 : memref<2048xf32, #tpu.memory_space<hbm>>)
    %dma_wait3A_403 = arith.constant 18432 : i32
    %dma_wait3A_404 = tpu.memref_slice %arg7[%dma_wait3A_403] : memref<32768xf32, #tpu.memory_space<vmem>> -> memref<2048xf32, #tpu.memory_space<vmem>>
    %dma_wait3A_405 = arith.constant 0 : i32
    %dma_wait3A_406 = tpu.memref_slice %arg4[%add3A_129, %dma_wait3A_405] : memref<512x2048xf32, #tpu.memory_space<hbm>> -> memref<1x2048xf32, #tpu.memory_space<hbm>>
    %dma_wait3A_407 = tpu.memref_squeeze %dma_wait3A_406 : memref<1x2048xf32, #tpu.memory_space<hbm>> -> memref<2048xf32, #tpu.memory_space<hbm>>
    %dma_wait3A_408 = arith.constant 0 : i32
    %dma_wait3A_409 = tpu.memref_slice %arg4[%add3A_129, %dma_wait3A_408] : memref<512x2048xf32, #tpu.memory_space<hbm>> -> memref<1x2048xf32, #tpu.memory_space<hbm>>
    %dma_wait3A_410 = tpu.memref_squeeze %dma_wait3A_409 : memref<1x2048xf32, #tpu.memory_space<hbm>> -> memref<2048xf32, #tpu.memory_space<hbm>>
    %dma_wait3A_411 = arith.constant 18432 : i32
    %dma_wait3A_412 = tpu.memref_slice %arg7[%dma_wait3A_411] : memref<32768xf32, #tpu.memory_space<vmem>> -> memref<2048xf32, #tpu.memory_space<vmem>>
    tpu.wait_dma2 semaphore(%arg8 : memref<!tpu.dma_semaphore, #tpu.memory_space<semaphore_mem>>) src(%dma_wait3A_412 : memref<2048xf32, #tpu.memory_space<vmem>>) dst(%dma_wait3A_410 : memref<2048xf32, #tpu.memory_space<hbm>>)
    %dma_wait3A_413 = arith.constant 20480 : i32
    %dma_wait3A_414 = tpu.memref_slice %arg7[%dma_wait3A_413] : memref<32768xf32, #tpu.memory_space<vmem>> -> memref<2048xf32, #tpu.memory_space<vmem>>
    %dma_wait3A_415 = arith.constant 0 : i32
    %dma_wait3A_416 = tpu.memref_slice %arg4[%add3A_133, %dma_wait3A_415] : memref<512x2048xf32, #tpu.memory_space<hbm>> -> memref<1x2048xf32, #tpu.memory_space<hbm>>
    %dma_wait3A_417 = tpu.memref_squeeze %dma_wait3A_416 : memref<1x2048xf32, #tpu.memory_space<hbm>> -> memref<2048xf32, #tpu.memory_space<hbm>>
    %dma_wait3A_418 = arith.constant 0 : i32
    %dma_wait3A_419 = tpu.memref_slice %arg4[%add3A_133, %dma_wait3A_418] : memref<512x2048xf32, #tpu.memory_space<hbm>> -> memref<1x2048xf32, #tpu.memory_space<hbm>>
    %dma_wait3A_420 = tpu.memref_squeeze %dma_wait3A_419 : memref<1x2048xf32, #tpu.memory_space<hbm>> -> memref<2048xf32, #tpu.memory_space<hbm>>
    %dma_wait3A_421 = arith.constant 20480 : i32
    %dma_wait3A_422 = tpu.memref_slice %arg7[%dma_wait3A_421] : memref<32768xf32, #tpu.memory_space<vmem>> -> memref<2048xf32, #tpu.memory_space<vmem>>
    tpu.wait_dma2 semaphore(%arg8 : memref<!tpu.dma_semaphore, #tpu.memory_space<semaphore_mem>>) src(%dma_wait3A_422 : memref<2048xf32, #tpu.memory_space<vmem>>) dst(%dma_wait3A_420 : memref<2048xf32, #tpu.memory_space<hbm>>)
    %dma_wait3A_423 = arith.constant 22528 : i32
    %dma_wait3A_424 = tpu.memref_slice %arg7[%dma_wait3A_423] : memref<32768xf32, #tpu.memory_space<vmem>> -> memref<2048xf32, #tpu.memory_space<vmem>>
    %dma_wait3A_425 = arith.constant 0 : i32
    %dma_wait3A_426 = tpu.memref_slice %arg4[%add3A_137, %dma_wait3A_425] : memref<512x2048xf32, #tpu.memory_space<hbm>> -> memref<1x2048xf32, #tpu.memory_space<hbm>>
    %dma_wait3A_427 = tpu.memref_squeeze %dma_wait3A_426 : memref<1x2048xf32, #tpu.memory_space<hbm>> -> memref<2048xf32, #tpu.memory_space<hbm>>
    %dma_wait3A_428 = arith.constant 0 : i32
    %dma_wait3A_429 = tpu.memref_slice %arg4[%add3A_137, %dma_wait3A_428] : memref<512x2048xf32, #tpu.memory_space<hbm>> -> memref<1x2048xf32, #tpu.memory_space<hbm>>
    %dma_wait3A_430 = tpu.memref_squeeze %dma_wait3A_429 : memref<1x2048xf32, #tpu.memory_space<hbm>> -> memref<2048xf32, #tpu.memory_space<hbm>>
    %dma_wait3A_431 = arith.constant 22528 : i32
    %dma_wait3A_432 = tpu.memref_slice %arg7[%dma_wait3A_431] : memref<32768xf32, #tpu.memory_space<vmem>> -> memref<2048xf32, #tpu.memory_space<vmem>>
    tpu.wait_dma2 semaphore(%arg8 : memref<!tpu.dma_semaphore, #tpu.memory_space<semaphore_mem>>) src(%dma_wait3A_432 : memref<2048xf32, #tpu.memory_space<vmem>>) dst(%dma_wait3A_430 : memref<2048xf32, #tpu.memory_space<hbm>>)
    %dma_wait3A_433 = arith.constant 24576 : i32
    %dma_wait3A_434 = tpu.memref_slice %arg7[%dma_wait3A_433] : memref<32768xf32, #tpu.memory_space<vmem>> -> memref<2048xf32, #tpu.memory_space<vmem>>
    %dma_wait3A_435 = arith.constant 0 : i32
    %dma_wait3A_436 = tpu.memref_slice %arg4[%add3A_141, %dma_wait3A_435] : memref<512x2048xf32, #tpu.memory_space<hbm>> -> memref<1x2048xf32, #tpu.memory_space<hbm>>
    %dma_wait3A_437 = tpu.memref_squeeze %dma_wait3A_436 : memref<1x2048xf32, #tpu.memory_space<hbm>> -> memref<2048xf32, #tpu.memory_space<hbm>>
    %dma_wait3A_438 = arith.constant 0 : i32
    %dma_wait3A_439 = tpu.memref_slice %arg4[%add3A_141, %dma_wait3A_438] : memref<512x2048xf32, #tpu.memory_space<hbm>> -> memref<1x2048xf32, #tpu.memory_space<hbm>>
    %dma_wait3A_440 = tpu.memref_squeeze %dma_wait3A_439 : memref<1x2048xf32, #tpu.memory_space<hbm>> -> memref<2048xf32, #tpu.memory_space<hbm>>
    %dma_wait3A_441 = arith.constant 24576 : i32
    %dma_wait3A_442 = tpu.memref_slice %arg7[%dma_wait3A_441] : memref<32768xf32, #tpu.memory_space<vmem>> -> memref<2048xf32, #tpu.memory_space<vmem>>
    tpu.wait_dma2 semaphore(%arg8 : memref<!tpu.dma_semaphore, #tpu.memory_space<semaphore_mem>>) src(%dma_wait3A_442 : memref<2048xf32, #tpu.memory_space<vmem>>) dst(%dma_wait3A_440 : memref<2048xf32, #tpu.memory_space<hbm>>)
    %dma_wait3A_443 = arith.constant 26624 : i32
    %dma_wait3A_444 = tpu.memref_slice %arg7[%dma_wait3A_443] : memref<32768xf32, #tpu.memory_space<vmem>> -> memref<2048xf32, #tpu.memory_space<vmem>>
    %dma_wait3A_445 = arith.constant 0 : i32
    %dma_wait3A_446 = tpu.memref_slice %arg4[%add3A_145, %dma_wait3A_445] : memref<512x2048xf32, #tpu.memory_space<hbm>> -> memref<1x2048xf32, #tpu.memory_space<hbm>>
    %dma_wait3A_447 = tpu.memref_squeeze %dma_wait3A_446 : memref<1x2048xf32, #tpu.memory_space<hbm>> -> memref<2048xf32, #tpu.memory_space<hbm>>
    %dma_wait3A_448 = arith.constant 0 : i32
    %dma_wait3A_449 = tpu.memref_slice %arg4[%add3A_145, %dma_wait3A_448] : memref<512x2048xf32, #tpu.memory_space<hbm>> -> memref<1x2048xf32, #tpu.memory_space<hbm>>
    %dma_wait3A_450 = tpu.memref_squeeze %dma_wait3A_449 : memref<1x2048xf32, #tpu.memory_space<hbm>> -> memref<2048xf32, #tpu.memory_space<hbm>>
    %dma_wait3A_451 = arith.constant 26624 : i32
    %dma_wait3A_452 = tpu.memref_slice %arg7[%dma_wait3A_451] : memref<32768xf32, #tpu.memory_space<vmem>> -> memref<2048xf32, #tpu.memory_space<vmem>>
    tpu.wait_dma2 semaphore(%arg8 : memref<!tpu.dma_semaphore, #tpu.memory_space<semaphore_mem>>) src(%dma_wait3A_452 : memref<2048xf32, #tpu.memory_space<vmem>>) dst(%dma_wait3A_450 : memref<2048xf32, #tpu.memory_space<hbm>>)
    %dma_wait3A_453 = arith.constant 28672 : i32
    %dma_wait3A_454 = tpu.memref_slice %arg7[%dma_wait3A_453] : memref<32768xf32, #tpu.memory_space<vmem>> -> memref<2048xf32, #tpu.memory_space<vmem>>
    %dma_wait3A_455 = arith.constant 0 : i32
    %dma_wait3A_456 = tpu.memref_slice %arg4[%add3A_149, %dma_wait3A_455] : memref<512x2048xf32, #tpu.memory_space<hbm>> -> memref<1x2048xf32, #tpu.memory_space<hbm>>
    %dma_wait3A_457 = tpu.memref_squeeze %dma_wait3A_456 : memref<1x2048xf32, #tpu.memory_space<hbm>> -> memref<2048xf32, #tpu.memory_space<hbm>>
    %dma_wait3A_458 = arith.constant 0 : i32
    %dma_wait3A_459 = tpu.memref_slice %arg4[%add3A_149, %dma_wait3A_458] : memref<512x2048xf32, #tpu.memory_space<hbm>> -> memref<1x2048xf32, #tpu.memory_space<hbm>>
    %dma_wait3A_460 = tpu.memref_squeeze %dma_wait3A_459 : memref<1x2048xf32, #tpu.memory_space<hbm>> -> memref<2048xf32, #tpu.memory_space<hbm>>
    %dma_wait3A_461 = arith.constant 28672 : i32
    %dma_wait3A_462 = tpu.memref_slice %arg7[%dma_wait3A_461] : memref<32768xf32, #tpu.memory_space<vmem>> -> memref<2048xf32, #tpu.memory_space<vmem>>
    tpu.wait_dma2 semaphore(%arg8 : memref<!tpu.dma_semaphore, #tpu.memory_space<semaphore_mem>>) src(%dma_wait3A_462 : memref<2048xf32, #tpu.memory_space<vmem>>) dst(%dma_wait3A_460 : memref<2048xf32, #tpu.memory_space<hbm>>)
    %dma_wait3A_463 = arith.constant 30720 : i32
    %dma_wait3A_464 = tpu.memref_slice %arg7[%dma_wait3A_463] : memref<32768xf32, #tpu.memory_space<vmem>> -> memref<2048xf32, #tpu.memory_space<vmem>>
    %dma_wait3A_465 = arith.constant 0 : i32
    %dma_wait3A_466 = tpu.memref_slice %arg4[%add3A_153, %dma_wait3A_465] : memref<512x2048xf32, #tpu.memory_space<hbm>> -> memref<1x2048xf32, #tpu.memory_space<hbm>>
    %dma_wait3A_467 = tpu.memref_squeeze %dma_wait3A_466 : memref<1x2048xf32, #tpu.memory_space<hbm>> -> memref<2048xf32, #tpu.memory_space<hbm>>
    %dma_wait3A_468 = arith.constant 0 : i32
    %dma_wait3A_469 = tpu.memref_slice %arg4[%add3A_153, %dma_wait3A_468] : memref<512x2048xf32, #tpu.memory_space<hbm>> -> memref<1x2048xf32, #tpu.memory_space<hbm>>
    %dma_wait3A_470 = tpu.memref_squeeze %dma_wait3A_469 : memref<1x2048xf32, #tpu.memory_space<hbm>> -> memref<2048xf32, #tpu.memory_space<hbm>>
    %dma_wait3A_471 = arith.constant 30720 : i32
    %dma_wait3A_472 = tpu.memref_slice %arg7[%dma_wait3A_471] : memref<32768xf32, #tpu.memory_space<vmem>> -> memref<2048xf32, #tpu.memory_space<vmem>>
    tpu.wait_dma2 semaphore(%arg8 : memref<!tpu.dma_semaphore, #tpu.memory_space<semaphore_mem>>) src(%dma_wait3A_472 : memref<2048xf32, #tpu.memory_space<vmem>>) dst(%dma_wait3A_470 : memref<2048xf32, #tpu.memory_space<hbm>>)
    return
  }
}

module attributes {stable_mosaic.version = 14 : i64} {
  func.func @_tc_body(%arg0: memref<512x2048xf32, #tpu.memory_space<vmem>>, %arg1: memref<1x1xf32, #tpu.memory_space<vmem>>) attributes {dimension_semantics = [], scalar_prefetch = 0 : i64, scratch_operands = 0 : i64, tpu.core_type = #tpu.core_type<tc>} {
    %get3A = arith.constant 0 : index
    %get3A_0 = arith.constant 0 : index
    %get3A_1 = vector.load %arg0[%get3A, %get3A_0] : memref<512x2048xf32, #tpu.memory_space<vmem>>, vector<512x2048xf32>
    %reduce_sum3A = arith.constant dense<0.000000e+00> : vector<2048xf32>
    %reduce_sum3A_2 = vector.multi_reduction <add>, %get3A_1, %reduce_sum3A [0] : vector<512x2048xf32> to vector<2048xf32>
    %broadcast_in_dim3A = vector.shape_cast %reduce_sum3A_2 : vector<2048xf32> to vector<1x2048xf32>
    %slice3A = vector.extract_strided_slice %broadcast_in_dim3A {offsets = [0, 0], sizes = [1, 1024], strides = [1, 1]} : vector<1x2048xf32> to vector<1x1024xf32>
    %slice3A_3 = vector.extract_strided_slice %broadcast_in_dim3A {offsets = [0, 1024], sizes = [1, 1024], strides = [1, 1]} : vector<1x2048xf32> to vector<1x1024xf32>
    %iota3A = tpu.iota {dimensions = array<i32: 0>} : vector<1024x1xi32>
    %iota3A_4 = tpu.iota {dimensions = array<i32: 1>} : vector<1x1024xi32>
    %ge3A = arith.constant 512 : i32
    %ge3A_5 = vector.broadcast %ge3A : i32 to vector<1024x1xi32>
    %ge3A_6 = arith.cmpi sge, %iota3A, %ge3A_5 : vector<1024x1xi32>
    %sub3A = arith.constant 1023 : i32
    %sub3A_7 = vector.broadcast %sub3A : i32 to vector<1024x1xi32>
    %sub3A_8 = arith.subi %sub3A_7, %iota3A : vector<1024x1xi32>
    %add3A = arith.constant 512 : i32
    %add3A_9 = vector.broadcast %add3A : i32 to vector<1024x1xi32>
    %add3A_10 = arith.addi %iota3A, %add3A_9 : vector<1024x1xi32>
    %select_n3A = arith.select %ge3A_6, %sub3A_8, %add3A_10 : vector<1024x1xi1>, vector<1024x1xi32>
    %ge3A_11 = arith.constant 512 : i32
    %ge3A_12 = vector.broadcast %ge3A_11 : i32 to vector<1x1024xi32>
    %ge3A_13 = arith.cmpi sge, %iota3A_4, %ge3A_12 : vector<1x1024xi32>
    %sub3A_14 = arith.constant 1023 : i32
    %sub3A_15 = vector.broadcast %sub3A_14 : i32 to vector<1x1024xi32>
    %sub3A_16 = arith.subi %sub3A_15, %iota3A_4 : vector<1x1024xi32>
    %add3A_17 = arith.constant 512 : i32
    %add3A_18 = vector.broadcast %add3A_17 : i32 to vector<1x1024xi32>
    %add3A_19 = arith.addi %iota3A_4, %add3A_18 : vector<1x1024xi32>
    %select_n3A_20 = arith.select %ge3A_13, %sub3A_16, %add3A_19 : vector<1x1024xi1>, vector<1x1024xi32>
    %gt3A = vector.broadcast %select_n3A_20 : vector<1x1024xi32> to vector<1024x1024xi32>
    %gt3A_21 = vector.broadcast %select_n3A : vector<1024x1xi32> to vector<1024x1024xi32>
    %gt3A_22 = arith.cmpi sgt, %gt3A, %gt3A_21 : vector<1024x1024xi32>
    %eq3A = vector.broadcast %select_n3A_20 : vector<1x1024xi32> to vector<1024x1024xi32>
    %eq3A_23 = vector.broadcast %select_n3A : vector<1024x1xi32> to vector<1024x1024xi32>
    %eq3A_24 = arith.cmpi eq, %eq3A, %eq3A_23 : vector<1024x1024xi32>
    %jit3A = arith.constant 5.000000e-01 : f32
    %jit3A_25 = arith.constant 0.000000e+00 : f32
    %broadcast_in_dim3A_26 = vector.broadcast %jit3A : f32 to vector<1024x1024xf32>
    %broadcast_in_dim3A_27 = vector.broadcast %jit3A_25 : f32 to vector<1024x1024xf32>
    %select_n3A_28 = arith.select %eq3A_24, %broadcast_in_dim3A_26, %broadcast_in_dim3A_27 : vector<1024x1024xi1>, vector<1024x1024xf32>
    %jit3A_29 = arith.constant 1.000000e+00 : f32
    %broadcast_in_dim3A_30 = vector.broadcast %jit3A_29 : f32 to vector<1024x1024xf32>
    %select_n3A_31 = arith.select %gt3A_22, %broadcast_in_dim3A_30, %select_n3A_28 : vector<1024x1024xi1>, vector<1024x1024xf32>
    %dot_general3A = arith.constant dense<0.000000e+00> : vector<1x1024xf32>
    %dot_general3A_32 = tpu.matmul %slice3A, %select_n3A_31, %dot_general3A {dimension_numbers = #tpu.dot_dimension_numbers<[1], [0], [0], [1], [0, 0, 1, 1], [], []>, precision = #tpu.contract_precision<fp32>, transpose_lhs_hint = false} : vector<1x1024xf32>, vector<1024x1024xf32>, vector<1x1024xf32> -> vector<1x1024xf32>
    %mul3A = arith.mulf %dot_general3A_32, %slice3A_3 : vector<1x1024xf32>
    %reduce_sum3A_33 = vector.shape_cast %mul3A : vector<1x1024xf32> to vector<1x1x1024xf32>
    %reduce_sum3A_34 = arith.constant dense<0.000000e+00> : vector<1xf32>
    %reduce_sum3A_35 = vector.multi_reduction <add>, %reduce_sum3A_33, %reduce_sum3A_34 [1, 2] : vector<1x1x1024xf32> to vector<1xf32>
    %reduce_sum3A_36 = vector.shape_cast %reduce_sum3A_35 : vector<1xf32> to vector<1x1x1xf32>
    %reduce_sum3A_37 = vector.extract %reduce_sum3A_36[0, 0, 0] : f32 from vector<1x1x1xf32>
    %broadcast_in_dim3A_38 = vector.broadcast %reduce_sum3A_37 : f32 to vector<1x1xf32>
    %reduce_sum3A_39 = vector.shape_cast %slice3A_3 : vector<1x1024xf32> to vector<1x1x1024xf32>
    %reduce_sum3A_40 = arith.constant dense<0.000000e+00> : vector<1xf32>
    %reduce_sum3A_41 = vector.multi_reduction <add>, %reduce_sum3A_39, %reduce_sum3A_40 [1, 2] : vector<1x1x1024xf32> to vector<1xf32>
    %reduce_sum3A_42 = vector.shape_cast %reduce_sum3A_41 : vector<1xf32> to vector<1x1x1xf32>
    %reduce_sum3A_43 = vector.extract %reduce_sum3A_42[0, 0, 0] : f32 from vector<1x1x1xf32>
    %broadcast_in_dim3A_44 = vector.broadcast %reduce_sum3A_43 : f32 to vector<1x1xf32>
    %reduce_sum3A_45 = vector.shape_cast %slice3A : vector<1x1024xf32> to vector<1x1x1024xf32>
    %reduce_sum3A_46 = arith.constant dense<0.000000e+00> : vector<1xf32>
    %reduce_sum3A_47 = vector.multi_reduction <add>, %reduce_sum3A_45, %reduce_sum3A_46 [1, 2] : vector<1x1x1024xf32> to vector<1xf32>
    %reduce_sum3A_48 = vector.shape_cast %reduce_sum3A_47 : vector<1xf32> to vector<1x1x1xf32>
    %reduce_sum3A_49 = vector.extract %reduce_sum3A_48[0, 0, 0] : f32 from vector<1x1x1xf32>
    %broadcast_in_dim3A_50 = vector.broadcast %reduce_sum3A_49 : f32 to vector<1x1xf32>
    %mul3A_51 = arith.mulf %broadcast_in_dim3A_44, %broadcast_in_dim3A_50 : vector<1x1xf32>
    %div3A = arith.divf %broadcast_in_dim3A_38, %mul3A_51 : vector<1x1xf32>
    %swap3A = arith.constant 0 : index
    %swap3A_52 = arith.constant 0 : index
    %swap3A_53 = vector.load %arg1[%swap3A, %swap3A_52] : memref<1x1xf32, #tpu.memory_space<vmem>>, vector<1x1xf32>
    tpu.vector_store %arg1[%swap3A, %swap3A_52], %div3A {strides = array<i32>} : memref<1x1xf32, #tpu.memory_space<vmem>>, vector<1x1xf32>,
    return
  }
}

</mosaic_0001>

<sc_bundles>
// kernel: kernel.4.cloned.1.call-start
scs
__scs_entry_jumppad:
0x0: {  	(pc) =	sbr.rel $0x88, $3  }
0x1: {  	(tag) =	ssettag $0x0;
	lr =	simm.s32 $0x1  }
0x2: {  	[smem:$0x3F9F] =	sst lr;
	_ =	strace $0xD0000000  }
0x3: {  	_ = 	snop  }
0x4: {  	_ = 	snop  }
0x5: {  	_ = 	snop  }
0x6: {  	_ = 	snop  }
0x7: {  	_ = 	snop  }
__scs_overlays_trampoline_lowered:
0x8: {  	[smem:$0x3FAE] =	sst s0  }
0x9: {  	[smem:$0x3FAF] =	sst s1  }
0xa: {  	[smem:$0x3FB0] =	sst s2  }
0xb: {  	[smem:$0x3FB1] =	sst s3  }
0xc: {  	[smem:$0x3FB2] =	sst s4  }
0xd: {  	[smem:$0x3FB3] =	sst s5  }
0xe: {  	[smem:$0x3FB4] =	sst s6  }
0xf: {  	[smem:$0x3FB5] =	sst s7  }
0x10: {  	[smem:$0x3FB6] =	sst s8  }
0x11: {  	[smem:$0x3FB7] =	sst s9;
	s0 =	simm.s32 @!p0 $0x0  }
0x12: {  	s1 =	sld [smem:$0x3F9D];
	s0 =	simm.s32 @p0 $0x1  }
0x13: {  	[smem:$0x3FB8] =	sst s0;
	s0 =	simm.s32 @!p1 $0x0  }
0x14: {  	s2 =	sld [smem:$0x3F9C];
	s0 =	simm.s32 @p1 $0x1  }
0x15: {  	[smem:$0x3FB9] =	sst s0;
	s0 =	simm.s32 @!p2 $0x0  }
0x16: {  	s3 =	sld [smem:$0x3FDB];
	s0 =	simm.s32 @p2 $0x1  }
0x17: {  	s4 =	simm.s32 $0x1BF5;
	[smem:$0x3FBB] =	sst s0  }
0x18: {  	s0 =	sld [smem:$0x3F9E];
	_ =	swait.ge [sflag:s4], $0x0  }
0x19: {  	s7 =	sld [smem:$0x3F9F]  }
0x1a: {  	s8 =	sadd.s32 $0xFFFFE003, lr  }
0x1b: {  	s9 =	sadd.s32 $0xFFFFFEF7, lr;
	s5 =	simm.s32 $0xFFFFFFFF;
	p2 =	slt.u32 s8, $0xFFFFF086  }
0x1c: {  	p1 =	slt.u32 s9, $0xF7A;
	s5 =	simm.s32 @!p2 $0x0  }
0x1d: {  	s5 =	simm.s32 @p1 $0x1;
	p0 =	seq.s32 s7, s2  }
0x1e: {  	s7 =	smul.u32 @!p0 $0xF7A, s2;
	p2 =	seq.s32 @!p0 s5, $0x0  }
0x1f: {  	s9 =	smul.u32 $0xF7A, s1;
	s8 =	simm.s32 @!p0 $0x1BF5;
	p2 =	por !p2, p0  }
0x20: {  	[sflag:s8] =	ssyncset.s32 @!p0 $0xFFFFF086;
	s6 =	sadd.s32 @!p0 s3, s7;
	s7 =	simm.s32 @!p0 $0x108  }
0x21: {  	s3 =	sadd.s32 s3, s9;
	s6 =	sadd.s32 @!p0 $0x88, s6;
	s7 =	simm.s32 @p2 $0x1082  }
0x22: {  	[simem:s7], [sflag:s8] =	dma.local @!p0 [hbm:s6], $0xF7A  }
0x23: {  	s9 =	sor.u32 $0xD0000000, s2;
	s6 =	simm.s32 $0x108;
	_ =	swait.ge @!p0 [sflag:s8], $0x0  }
0x24: {  	s3 =	sadd.s32 $0x88, s3;
	s6 =	simm.s32 @!p1 $0x1082;
	[sflag:s4] =	ssyncset.s32 $0xFFFFF086  }
0x25: {  	[simem:s6], [sflag:s4] =	dma.local [hbm:s3], $0xF7A  }
0x26: {  	[smem:$0x3F9F] =	sst s1;
	(tag) =	ssettag s2;
	_ =	strace s9  }
0x27: {  	s1 =	sld [smem:$0x3FAF]  }
0x28: {  	s2 =	sld [smem:$0x3FB0]  }
0x29: {  	s4 =	sld [smem:$0x3FB2]  }
0x2a: {  	p0 =	seq.s32 s5, $0x0;
	s5 =	sld [smem:$0x3FB3]  }
0x2b: {  	s6 =	sld [smem:$0x3FB4]  }
0x2c: {  	s7 =	sld [smem:$0x3FB5]  }
0x2d: {  	s3 =	simm.s32 $0x108;
	s8 =	sld [smem:$0x3FB6]  }
0x2e: {  	s3 =	simm.s32 @!p0 $0x1082;
	s9 =	sld [smem:$0x3FB7]  }
0x2f: {  	lr =	sadd.s32 s0, s3;
	s0 =	sld [smem:$0x3FAE]  }
0x30: {  	s3 =	sld [smem:$0x3FB1]  }
0x31: {  	[smem:$0x3FBA] =	sst s10  }
0x32: {  	s10 =	sld [smem:$0x3FB8];
	_ =	sdelay $0x3  }
0x33: {  	p0 =	seq.s32 s10, $0x1;
	s10 =	sld [smem:$0x3FBA];
	_ =	sdelay $0x3  }
0x34: {  	[smem:$0x3FBA] =	sst s10  }
0x35: {  	s10 =	sld [smem:$0x3FB9];
	_ =	sdelay $0x3  }
0x36: {  	p1 =	seq.s32 s10, $0x1;
	s10 =	sld [smem:$0x3FBA];
	_ =	sdelay $0x3  }
0x37: {  	[smem:$0x3FBA] =	sst s10  }
0x38: {  	s10 =	sld [smem:$0x3FBB]  }
0x39: {  	_ = 	snop;
	(pc) =	sbr.ind lr, $3  }
0x3a: {  	_ = 	snop  }
0x3b: {  	_ = 	snop  }
0x3c: {  	p2 =	seq.s32 s10, $0x1;
	s10 =	sld [smem:$0x3FBA]  }
0x3d: {  	_ =	shalt  }
0x3e: {  	_ =	shalt  }
0x3f: {  	_ =	shalt  }
0x40: {  	_ =	shalt  }
0x41: {  	_ =	shalt  }
0x42: {  	_ =	shalt  }
0x43: {  	_ =	shalt  }
0x44: {  	_ =	shalt  }
0x45: {  	_ =	shalt  }
0x46: {  	_ =	shalt  }
0x47: {  	_ =	shalt  }
0x48: {  	_ =	shalt  }
0x49: {  	_ =	shalt  }
0x4a: {  	_ =	shalt  }
0x4b: {  	_ =	shalt  }
0x4c: {  	_ =	shalt  }
0x4d: {  	_ =	shalt  }
0x4e: {  	_ =	shalt  }
0x4f: {  	_ =	shalt  }
0x50: {  	_ =	shalt  }
0x51: {  	_ =	shalt  }
0x52: {  	_ =	shalt  }
0x53: {  	_ =	shalt  }
0x54: {  	_ =	shalt  }
0x55: {  	_ =	shalt  }
0x56: {  	_ =	shalt  }
0x57: {  	_ =	shalt  }
0x58: {  	_ =	shalt  }
0x59: {  	_ =	shalt  }
0x5a: {  	_ =	shalt  }
0x5b: {  	_ =	shalt  }
0x5c: {  	_ =	shalt  }
0x5d: {  	_ =	shalt  }
0x5e: {  	_ =	shalt  }
0x5f: {  	_ =	shalt  }
0x60: {  	_ =	shalt  }
0x61: {  	_ =	shalt  }
0x62: {  	_ =	shalt  }
0x63: {  	_ =	shalt  }
0x64: {  	_ =	shalt  }
0x65: {  	_ =	shalt  }
0x66: {  	_ =	shalt  }
0x67: {  	_ =	shalt  }
0x68: {  	_ =	shalt  }
0x69: {  	_ =	shalt  }
0x6a: {  	_ =	shalt  }
0x6b: {  	_ =	shalt  }
0x6c: {  	_ =	shalt  }
0x6d: {  	_ =	shalt  }
0x6e: {  	_ =	shalt  }
0x6f: {  	_ =	shalt  }
0x70: {  	_ =	shalt  }
0x71: {  	_ =	shalt  }
0x72: {  	_ =	shalt  }
0x73: {  	_ =	shalt  }
0x74: {  	_ =	shalt  }
0x75: {  	_ =	shalt  }
0x76: {  	_ =	shalt  }
0x77: {  	_ =	shalt  }
0x78: {  	_ =	shalt  }
0x79: {  	_ =	shalt  }
0x7a: {  	_ =	shalt  }
0x7b: {  	_ =	shalt  }
0x7c: {  	_ =	shalt  }
0x7d: {  	_ =	shalt  }
0x7e: {  	_ =	shalt  }
0x7f: {  	_ =	shalt  }
0x80: {  	_ =	shalt  }
0x81: {  	_ =	shalt  }
0x82: {  	_ =	shalt  }
0x83: {  	_ =	shalt  }
0x84: {  	_ =	shalt  }
0x85: {  	_ =	shalt  }
0x86: {  	_ =	shalt  }
0x87: {  	_ =	shalt  }
.Lfunc_end0:
.L_simem_size_0:
called_computation_lowered:
.L_overlay_start_0:
0x88: {  	s2 =	sld [smem:$0x3FD9]  }
0x89: {  	s3 =	sld [smem:$0x3FFE];
	_ =	sdelay $0x1  }
0x8a: {  	s1 =	srdreg.scid  }
0x8b: {  	s0 =	sand.u32 $0x1, s1  }
0x8c: {  	s17 =	sshll.u32 s0, $0xA;
	s2 =	sadd.s32 s3, s2  }
0x8d: {  	s2 =	sadd.s32 s2, s17  }
0x8e: {  	[smem:$0x3FC6] =	sst s2  }
0x8f: {  	_ = 	snop  }
0x90: {  	s2 =	sld [smem:$0x3FC9]  }
0x91: {  	s18 =	sld [smem:$0x3FC8];
	(tm) =	ssettm $0x1  }
0x92: {  	s4 =	sld [smem:$0x3FFB];
	_ =	sdelay $0x3  }
0x93: {  	_ =	strace s4  }
0x94: {  	s4 =	sld [smem:$0x3FFC];
	_ =	sdelay $0x3  }
0x95: {  	_ =	strace s4  }
0x96: {  	s4 =	sld [smem:$0x3FFD];
	_ =	sdelay $0x3  }
0x97: {  	_ =	strace s4  }
0x98: {  	_ =	strace $0x8FFFFFFF  }
0x99: {  	s19 =	sld [smem:$0x3FDB];
	_ =	sdelay $0x1  }
0x9a: {  	s5 =	simm.s32 $_scs_section_size  }
0x9b: {  	s6 =	simm.s32 $_size__tile_overlayer_lowered;
	s7 =	simm.s32 $_tile_overlayer_lowered  }
0x9c: {  	s22 =	simm.s32 $0x1BFF;
	s21 =	sshll.u32 s7, $0x1;
	s4 =	sadd.s32 s5, s19  }
0x9d: {  	s8 =	simm.s32 $0x0;
	s20 =	sshll.u32 s6, $0x1;
	s6 =	sadd.s32 s21, s4  }
0x9e: {  	[timem:s8], [sflag:s22] =	dma.local [hbm:s6], s20  }
0x9f: {  	_ =	swait.ge [sflag:s22], s20  }
0xa0: {  	s5 =	ssub.s32 $0x0, s20;
	[sflag:s22] =	ssyncset.done $0x0  }
0xa1: {  	[sflag:s22] =	ssyncadd.s32 s5;
	_ =	sdelay $0x1  }
0xa2: {  	s23 =	simm.s32 $0x1B8B  }
0xa3: {  	_ =	swait.ge [sflag:s23], $0x1  }
0xa4: {  	[sflag:s23] =	ssyncset.done $0x0  }
0xa5: {  	s25 =	simm.s32 $0x1B8E;
	s24 =	sld [smem:$0x3FFE];
	[sflag:s23] =	ssyncadd.s32 $0xFFFFFFFF  }
0xa6: {  	s26 =	simm.s32 $execute0_lowered;
	[smem:$0x3FD2] =	sst s25  }
0xa7: {  	s6 =	sshll.u32 s26, $0x1;
	_ =	strace $0x80000046;
	[dreg:$0x1] =	wrdreg $0xFFFFFFFF  }
0xa8: {  	s28 =	simm.s32 $_size_execute0_lowered;
	s4 =	sadd.s32 s4, s6;
	[dreg:$0x0] =	wrdreg $0x0  }
0xa9: {  	s6 =	sshll.u32 s28, $0x1;
	[dreg:$0x2] =	wrdreg s4  }
0xaa: {  	[dreg:$0x3] =	wrdreg s6  }
0xab: {  	[dreg:$0x4] =	wrdreg $0xC0  }
0xac: {  	_ =	task [dreg:s8], $0x5FFFF  }
0xad: {  	[dreg:$0x1] =	wrdreg $0xFFFFFFFF  }
0xae: {  	[dreg:$0x0] =	wrdreg $0x60  }
0xaf: {  	[dreg:$0x2] =	wrdreg s2  }
0xb0: {  	[dreg:$0x3] =	wrdreg s18  }
0xb1: {  	[dreg:$0x4] =	wrdreg s24  }
0xb2: {  	[dreg:$0x5] =	wrdreg $0x9  }
0xb3: {  	_ =	task.clear_ibuf [dreg:s8], $0x6FFFF;
	_ =	strace $0x90000046  }
0xb4: {  	s29 =	simm.s32 $0x9;
	_ =	strace $0x80000048  }
0xb5: {  	_ =	swait.ge [sflag:s29], $0x1  }
0xb6: {  	[sflag:s29] =	ssyncadd.s32 $0xFFFFFFFF  }
0xb7: {  	_ =	strace $0x90000048  }
0xb8: {  	_ =	sfence  }
0xb9: {  	s30 =	sld [smem:$0x0];
	_ =	sdelay $0x2  }
0xba: {  	s31 =	sshll.u32 s1, $0xD;
	s1 =	sshrl.u32 s1, $0x2  }
0xbb: {  	s3 =	sand.u32 $0x4000, s31;
	s1 =	sadd.s32 s1, s30  }
0xbc: {  	s0 =	sor.u32 s3, s0;
	s1 =	sshll.u32 s1, $0x11  }
0xbd: {  	s0 =	sor.u32 s1, s0  }
0xbe: {  	s0 =	sadd.s32 $0x8F2B, s0  }
0xbf: {  	[sflag:s0] =	ssyncadd.remote.s32 $0x1  }
0xc0: {  	_ =	sfence.sel $0xFFFF  }
0xc1: {  	[dreg:$0x0] =	wrdreg $0xFFFFFFFF;
	(pc) =	sbr.abs _section_cstart, $3  }
0xc2: {  	[dreg:$0x1] =	wrdreg $0xFFFFFFFF  }
0xc3: {  	_ =	task.clear_ibuf [dreg:s8], $0x2FFFF;
	_ =	strace $0x9FFFFFFF  }
0xc4: {  	(tm) =	ssettm $0x7FFFFFFF  }
0xc5: {  	_ =	shalt  }
tec
execute0_lowered:
.L_overlay_start_1:
0x0: {  	(tag) =	ssettag $0x1  }
0x1: {  	s1 =	rddreg [dreg:$0x0]  }
0x2: {  	s3 =	rddreg [dreg:$0x1]  }
0x3: {  	s0 =	rddreg [dreg:$0x2];
	s2 =	srdreg.scid  }
0x4: {  	s9 =	stileid.u32;
	s4 =	simm.s32 $0x0;
	s30 =	simm.s32 $0x2000  }
0x5: {  	s31 =	simm.s32 $0x6000;
	s29 =	simm.s32 $0x2;
	s2 =	sand.u32 $0x1, s2  }
0x6: {  	s5 =	sshll.u32 s9, $0x5;
	[smem:$0x7FF] =	sst s4;
	s9 =	sshll.u32 s9, $0xF  }
0x7: {  	s6 =	sshll.u32 s2, $0x4;
	_ =	strace $0x80000047;
	s7 =	ssub.s32 $0x2, s2  }
0x8: {  	s2 =	sshll.u32 s2, $0xE;
	s5 =	sor.u32 s6, s5;
	s8 =	sshrl.u32 s7, $0x1  }
0x9: {  	s2 =	sor.u32 s2, s9;
	s6 =	sshll.u32 s5, $0x8;
	s16 =	ssub.s32 s7, s8  }
0xa: {  	s17 =	sadd.s32 s1, s2;
	s18 =	sadd.s32 s3, s2;
	s2 =	sor.u32 $0x400, s2  }
0xb: {  	s9 =	sor.u32 $0x2, s5;
	s10 =	sor.u32 $0x3, s5;
	[dreg:$0x4] =	wrdreg s17  }
0xc: {  	s5 =	simm.s32 $0x80;
	[dreg:$0x5] =	wrdreg s18;
	s19 =	sadd.s32 s1, s2  }
0xd: {  	s0 =	sadd.s32 s6, s0;
	s2 =	sadd.s32 s3, s2;
	[dreg:$0x6] =	wrdreg s19  }
0xe: {  	s7 =	simm.s32 $0x0;
	[dreg:$0x7] =	wrdreg s2;
	s20 =	sadd.s32 $0x600, s0  }
0xf: {  	s28 =	smax.u32 s16, $0x1;
	s21 =	sadd.s32 $0x610, s0;
	[dreg:$0x8] =	wrdreg s20  }
0x10: {  	s6 =	simm.s32 $0x400;
	s22 =	sadd.s32 $0x620, s0;
	[dreg:$0x9] =	wrdreg s21  }
0x11: {  	s23 =	sadd.s32 $0x630, s0;
	s24 =	sadd.s32 $0x640, s0;
	[dreg:$0xa] =	wrdreg s22  }
0x12: {  	s25 =	sadd.s32 $0x650, s0;
	s26 =	sadd.s32 $0x660, s0;
	[dreg:$0xb] =	wrdreg s23  }
.Ltmp0:
0x13: {  	s18 =	sadd.s32 $0x670, s0;
	[dreg:$0xc] =	wrdreg s24;
	(pc) =	sbr.rel .LBB2_1-.Ltmp0, $4  }
0x14: {  	s19 =	sadd.s32 $0xE00, s0;
	s2 =	simm.s32 $0x8000;
	[dreg:$0xd] =	wrdreg s25  }
0x15: {  	[dreg:$0xe] =	wrdreg s26;
	s20 =	sadd.s32 $0xE10, s0;
	s21 =	sadd.s32 $0xE20, s0  }
0x16: {  	v1 =	vlaneseq.u32;
	s22 =	sadd.s32 $0xE30, s0;
	s23 =	sadd.s32 $0xE40, s0;
	s24 =	sadd.s32 $0xE50, s0  }
0x17: {  	v0 =	vimm.f32 $0.0e+00;
	v2 =	vimm.f32 $1.000000000e+00;
	v1 =	vmul.u32 $0x800, v1;
	s25 =	sadd.s32 $0xE60, s0;
	s26 =	sadd.s32 $0xE70, s0;
	s0 =	simm.s32 $0x1  }
.LBB2_10:
0x18: {  	s8 =	rddreg [dreg:$0x8]  }
0x19: {  	[hbm4b:s8+s5] =	stream.strided.scatter [tilespmem:s2], [sflag:$0x1], $0x800, s6, s5, $0x38;
	[tilespmem:$0x10000] =	vst v63  }
0x1a: {  	s17 =	rddreg [dreg:$0x9];
	s11 =	simm.s32 $0x8800  }
0x1b: {  	[hbm4b:s17+s5] =	stream.strided.scatter [tilespmem:s11], [sflag:$0x1], $0x800, s6, s5, $0x38;
	[tilespmem:$0x10000] =	vst v63  }
0x1c: {  	s12 =	rddreg [dreg:$0xa];
	s13 =	simm.s32 $0x9000  }
0x1d: {  	[hbm4b:s12+s5] =	stream.strided.scatter [tilespmem:s13], [sflag:$0x1], $0x800, s6, s5, $0x38;
	[tilespmem:$0x10000] =	vst v63  }
0x1e: {  	s14 =	rddreg [dreg:$0xb];
	s15 =	simm.s32 $0x9800  }
0x1f: {  	[hbm4b:s14+s5] =	stream.strided.scatter [tilespmem:s15], [sflag:$0x1], $0x800, s6, s5, $0x38;
	[tilespmem:$0x10000] =	vst v63  }
0x20: {  	s16 =	rddreg [dreg:$0xc];
	s17 =	simm.s32 $0xA000  }
0x21: {  	[hbm4b:s16+s5] =	stream.strided.scatter [tilespmem:s17], [sflag:$0x1], $0x800, s6, s5, $0x38;
	[tilespmem:$0x10000] =	vst v63  }
0x22: {  	s12 =	rddreg [dreg:$0xd];
	s13 =	simm.s32 $0xA800  }
0x23: {  	[hbm4b:s12+s5] =	stream.strided.scatter [tilespmem:s13], [sflag:$0x1], $0x800, s6, s5, $0x38;
	[tilespmem:$0x10000] =	vst v63  }
0x24: {  	s14 =	rddreg [dreg:$0xe];
	s15 =	simm.s32 $0xB000  }
0x25: {  	[hbm4b:s14+s5] =	stream.strided.scatter [tilespmem:s15], [sflag:$0x1], $0x800, s6, s5, $0x38;
	[tilespmem:$0x10000] =	vst v63  }
0x26: {  	s16 =	simm.s32 $0xB800  }
0x27: {  	[hbm4b:s18+s5] =	stream.strided.scatter [tilespmem:s16], [sflag:$0x1], $0x800, s6, s5, $0x38;
	[tilespmem:$0x10000] =	vst v63  }
0x28: {  	s17 =	simm.s32 $0xC000  }
0x29: {  	[hbm4b:s19+s5] =	stream.strided.scatter [tilespmem:s17], [sflag:$0x1], $0x800, s6, s5, $0x38;
	[tilespmem:$0x10000] =	vst v63  }
0x2a: {  	s11 =	simm.s32 $0xC800  }
0x2b: {  	[hbm4b:s20+s5] =	stream.strided.scatter [tilespmem:s11], [sflag:$0x1], $0x800, s6, s5, $0x38;
	[tilespmem:$0x10000] =	vst v63  }
0x2c: {  	s12 =	simm.s32 $0xD000  }
0x2d: {  	[hbm4b:s21+s5] =	stream.strided.scatter [tilespmem:s12], [sflag:$0x1], $0x800, s6, s5, $0x38;
	[tilespmem:$0x10000] =	vst v63  }
0x2e: {  	s13 =	simm.s32 $0xD800  }
0x2f: {  	[hbm4b:s22+s5] =	stream.strided.scatter [tilespmem:s13], [sflag:$0x1], $0x800, s6, s5, $0x38;
	[tilespmem:$0x10000] =	vst v63  }
0x30: {  	s14 =	simm.s32 $0xE000  }
0x31: {  	[hbm4b:s23+s5] =	stream.strided.scatter [tilespmem:s14], [sflag:$0x1], $0x800, s6, s5, $0x38;
	[tilespmem:$0x10000] =	vst v63  }
0x32: {  	s15 =	simm.s32 $0xE800  }
0x33: {  	[hbm4b:s24+s5] =	stream.strided.scatter [tilespmem:s15], [sflag:$0x1], $0x800, s6, s5, $0x38;
	[tilespmem:$0x10000] =	vst v63  }
0x34: {  	s16 =	simm.s32 $0xF000  }
0x35: {  	[hbm4b:s25+s5] =	stream.strided.scatter [tilespmem:s16], [sflag:$0x1], $0x800, s6, s5, $0x38;
	[tilespmem:$0x10000] =	vst v63  }
0x36: {  	s17 =	simm.s32 $0xF800  }
0x37: {  	[hbm4b:s26+s5] =	stream.strided.scatter [tilespmem:s17], [sflag:$0x1], $0x800, s6, s5, $0x38;
	[tilespmem:$0x10000] =	vst v63  }
0x38: {  	_ =	swait.ge [sflag:s0], $0x800  }
0x39: {  	[sflag:s0] =	ssyncset.done $0x0  }
0x3a: {  	[sflag:s0] =	ssyncadd.s32 $0xFFFFF800  }
0x3b: {  	_ =	swait.ge [sflag:s0], $0x800  }
0x3c: {  	[sflag:s0] =	ssyncset.done $0x0  }
0x3d: {  	[sflag:s0] =	ssyncadd.s32 $0xFFFFF800  }
0x3e: {  	_ =	swait.ge [sflag:s0], $0x800  }
0x3f: {  	[sflag:s0] =	ssyncset.done $0x0  }
0x40: {  	[sflag:s0] =	ssyncadd.s32 $0xFFFFF800  }
0x41: {  	_ =	swait.ge [sflag:s0], $0x800  }
0x42: {  	[sflag:s0] =	ssyncset.done $0x0  }
0x43: {  	[sflag:s0] =	ssyncadd.s32 $0xFFFFF800  }
0x44: {  	_ =	swait.ge [sflag:s0], $0x800  }
0x45: {  	[sflag:s0] =	ssyncset.done $0x0  }
0x46: {  	[sflag:s0] =	ssyncadd.s32 $0xFFFFF800  }
0x47: {  	_ =	swait.ge [sflag:s0], $0x800  }
0x48: {  	[sflag:s0] =	ssyncset.done $0x0  }
0x49: {  	[sflag:s0] =	ssyncadd.s32 $0xFFFFF800  }
0x4a: {  	_ =	swait.ge [sflag:s0], $0x800  }
0x4b: {  	[sflag:s0] =	ssyncset.done $0x0  }
0x4c: {  	[sflag:s0] =	ssyncadd.s32 $0xFFFFF800  }
0x4d: {  	_ =	swait.ge [sflag:s0], $0x800  }
0x4e: {  	[sflag:s0] =	ssyncset.done $0x0  }
0x4f: {  	[sflag:s0] =	ssyncadd.s32 $0xFFFFF800  }
0x50: {  	_ =	swait.ge [sflag:s0], $0x800  }
0x51: {  	[sflag:s0] =	ssyncset.done $0x0  }
0x52: {  	[sflag:s0] =	ssyncadd.s32 $0xFFFFF800  }
0x53: {  	_ =	swait.ge [sflag:s0], $0x800  }
0x54: {  	[sflag:s0] =	ssyncset.done $0x0  }
0x55: {  	[sflag:s0] =	ssyncadd.s32 $0xFFFFF800  }
0x56: {  	_ =	swait.ge [sflag:s0], $0x800  }
0x57: {  	[sflag:s0] =	ssyncset.done $0x0  }
0x58: {  	[sflag:s0] =	ssyncadd.s32 $0xFFFFF800  }
0x59: {  	_ =	swait.ge [sflag:s0], $0x800  }
0x5a: {  	[sflag:s0] =	ssyncset.done $0x0  }
0x5b: {  	[sflag:s0] =	ssyncadd.s32 $0xFFFFF800  }
0x5c: {  	_ =	swait.ge [sflag:s0], $0x800  }
0x5d: {  	[sflag:s0] =	ssyncset.done $0x0  }
0x5e: {  	[sflag:s0] =	ssyncadd.s32 $0xFFFFF800  }
0x5f: {  	_ =	swait.ge [sflag:s0], $0x800  }
0x60: {  	[sflag:s0] =	ssyncset.done $0x0  }
0x61: {  	s7 =	sadd.s32 $0x1, s7;
	[sflag:s0] =	ssyncadd.s32 $0xFFFFF800  }
0x62: {  	p0 =	sne.s32 s7, s28;
	_ =	swait.ge [sflag:s0], $0x800  }
.Ltmp1:
0x63: {  	[sflag:s0] =	ssyncset.done $0x0;
	(pc) =	sbr.rel @!p0 .LBB2_11-.Ltmp1, $4  }
0x64: {  	[sflag:s0] =	ssyncadd.s32 $0xFFFFF800  }
0x65: {  	_ =	swait.ge [sflag:s0], $0x800  }
0x66: {  	[sflag:s0] =	ssyncset.done $0x0  }
0x67: {  	[sflag:s0] =	ssyncadd.s32 $0xFFFFF800  }
.LBB2_1:
0x68: {  	s8 =	simm.s32 $0x8040  }
0x69: {  	[tilespmem:s8+$0xFFFFFFC0] =	vst v0  }
0x6a: {  	[tilespmem:s8+$0x30] =	vst v0  }
0x6b: {  	[tilespmem:s8+$0x20] =	vst v0  }
0x6c: {  	[tilespmem:s8+$0x10] =	vst v0  }
0x6d: {  	[tilespmem:s8+$0x0] =	vst v0  }
0x6e: {  	[tilespmem:s8+$0xFFFFFFF0] =	vst v0  }
0x6f: {  	s11 =	simm.s32 $0x0;
	[tilespmem:s8+$0xFFFFFFE0] =	vst v0  }
.LBB2_2:
0x70: {  	s11 =	sadd.s32 $0x8, s11;
	[tilespmem:s8+$0xFFFFFFD0] =	vst v0;
	s8 =	sadd.s32 $0x80, s8  }
0x71: {  	[tilespmem:s8+$0xFFFFFFC0] =	vst v0;
	p0 =	slt.u32 s11, $0x7F8  }
0x72: {  	[tilespmem:s8+$0x30] =	vst v0  }
.Ltmp2:
0x73: {  	[tilespmem:s8+$0x20] =	vst v0;
	(pc) =	sbr.rel @p0 .LBB2_2-.Ltmp2, $4  }
0x74: {  	[tilespmem:s8+$0x10] =	vst v0  }
0x75: {  	[tilespmem:s8+$0x0] =	vst v0  }
0x76: {  	[tilespmem:s8+$0xFFFFFFF0] =	vst v0  }
0x77: {  	[tilespmem:s8+$0xFFFFFFE0] =	vst v0  }
0x78: {  	[tilespmem:s8+$0xFFFFFFD0] =	vst v0  }
0x79: {  	s8 =	simm.s32 $0x0;
	s11 =	rddreg [dreg:$0x4]  }
0x7a: {  	[tilespmem:s8], [sflag:$0x1] =	stream.linear.gather [hbm4b:s11+s8], $0x2000, $0x38;
	[tilespmem:$0x10000] =	vst v63  }
0x7b: {  	s12 =	simm.s32 $0x4000;
	s15 =	rddreg [dreg:$0x5]  }
0x7c: {  	[tilespmem:s12], [sflag:$0x1] =	stream.linear.gather [hbm4b:s15+s8], $0x2000, $0x38;
	[tilespmem:$0x10000] =	vst v63  }
0x7d: {  	s16 =	rddreg [dreg:$0x6]  }
0x7e: {  	[tilespmem:s30], [sflag:$0x2] =	stream.linear.gather [hbm4b:s16+s8], $0x2000, $0x38;
	[tilespmem:$0x10000] =	vst v63  }
0x7f: {  	s17 =	rddreg [dreg:$0x7];
	s11 =	simm.s32 $0x0  }
0x80: {  	[tilespmem:s31], [sflag:$0x2] =	stream.linear.gather [hbm4b:s17+s8], $0x2000, $0x38;
	[tilespmem:$0x10000] =	vst v63  }
.LBB2_4:
0x81: {  	_ =	swait.ge [sflag:s0], $0x2000  }
0x82: {  	[sflag:s0] =	ssyncset.done $0x0  }
0x83: {  	s12 =	simm.s32 $0x0;
	s13 =	sand.u32 $0xC00, s8;
	[sflag:s0] =	ssyncadd.s32 $0xFFFFE000  }
0x84: {  	s14 =	simm.s32 $0x0;
	s12 =	sand.u32 $0x1000, s12;
	_ =	swait.ge [sflag:s0], $0x2000  }
0x85: {  	s14 =	sand.u32 $0x380, s14;
	s12 =	sor.u32 s13, s12;
	[sflag:s0] =	ssyncset.done $0x0  }
0x86: {  	s12 =	sor.u32 s14, s12;
	[sflag:s0] =	ssyncadd.s32 $0xFFFFE000  }
0x87: {  	v3 =	vld [tilespmem:s12+$0x70]  }
0x88: {  	v4 =	vld [tilespmem:s12+$0x4070]  }
0x89: {  	v5 =	vld [tilespmem:s12+$0x0]  }
0x8a: {  	v7 =	vld [tilespmem:s12+$0x10]  }
0x8b: {  	v8 =	vld [tilespmem:s12+$0x4010]  }
0x8c: {  	v9 =	vld [tilespmem:s12+$0x20]  }
0x8d: {  	v10 =	vld [tilespmem:s12+$0x4020]  }
0x8e: {  	v12 =	vld [tilespmem:s12+$0x30]  }
0x8f: {  	v14 =	vld [tilespmem:s12+$0x4040]  }
0x90: {  	v15 =	vld [tilespmem:s12+$0x50]  }
0x91: {  	v17 =	vld [tilespmem:s12+$0x4050];
	_ =	sdelay $0x1  }
0x92: {  	v4 =	vshrl.u32 v4, $0xD;
	v3 =	vshrl.u32 v3, $0x16;
	v5 =	vshrl.u32 v5, $0x16  }
0x93: {  	v7 =	vshrl.u32 v7, $0x16;
	v8 =	vshrl.u32 v8, $0xD;
	v9 =	vshrl.u32 v9, $0x16  }
0x94: {  	v10 =	vshrl.u32 v10, $0xD;
	v12 =	vshrl.u32 v12, $0x16;
	v14 =	vshrl.u32 v14, $0xD  }
0x95: {  	v15 =	vshrl.u32 v15, $0x16;
	v17 =	vshrl.u32 v17, $0xD;
	v4 =	vand.u32 $0x400, v4  }
0x96: {  	v6 =	vld [tilespmem:s12+$0x4000];
	v11 =	vor.u32 v1, v3;
	v3 =	vand.u32 $0x7F, v3;
	v13 =	vor.u32 v1, v5  }
0x97: {  	v5 =	vand.u32 $0x7F, v5;
	v8 =	vand.u32 $0x400, v8;
	v16 =	vor.u32 v1, v7  }
0x98: {  	v20 =	vld [tilespmem:s12+$0x60];
	v7 =	vand.u32 $0x7F, v7;
	v10 =	vand.u32 $0x400, v10;
	v18 =	vor.u32 v1, v9  }
0x99: {  	v21 =	vld [tilespmem:s12+$0x4060];
	v9 =	vand.u32 $0x7F, v9;
	v19 =	vor.u32 v1, v12;
	v12 =	vand.u32 $0x7F, v12  }
0x9a: {  	v14 =	vand.u32 $0x400, v14;
	v23 =	vor.u32 v1, v15;
	v15 =	vand.u32 $0x7F, v15  }
0x9b: {  	v11 =	vand.u32 $0x7B80, v11;
	v3 =	vor.u32 v3, v4;
	v4 =	vshrl.u32 v6, $0xD;
	v6 =	vld [tilespmem:s12+$0x4030]  }
0x9c: {  	s15 =	simm.s32 $0x80;
	v13 =	vand.u32 $0x7B80, v13;
	v3 =	vor.u32 v11, v3;
	v4 =	vand.u32 $0x400, v4;
	v11 =	vld [tilespmem:s12+$0x40];
	s12 =	simm.s32 $0x400  }
0x9d: {  	s13 =	sand.u32 $0x1000, s15;
	s15 =	simm.s32 $0x20;
	v7 =	vor.u32 v7, v8;
	v8 =	vshrl.u32 v20, $0x16;
	v4 =	vor.u32 v5, v4;
	s16 =	sand.u32 $0xC00, s12  }
0x9e: {  	s17 =	sand.u32 $0x380, s15;
	v5 =	vand.u32 $0x7B80, v16;
	v16 =	vand.u32 $0x400, v17;
	v17 =	vshrl.u32 v21, $0xD;
	s13 =	sor.u32 s16, s13  }
0x9f: {  	v9 =	vor.u32 v9, v10;
	v19 =	vand.u32 $0x7B80, v19;
	v17 =	vand.u32 $0x400, v17;
	s13 =	sor.u32 s17, s13  }
0xa0: {  	v15 =	vor.u32 v15, v16;
	v28 =	vor.u32 v5, v7;
	v6 =	vshrl.u32 v6, $0xD;
	v10 =	vld [tilespmem:s13+$0x70]  }
0xa1: {  	v6 =	vand.u32 $0x400, v6;
	v11 =	vshrl.u32 v11, $0x16;
	[tilespmem:v3+s2+$0x0] =	vst.idx.add.f32.msk $0xffff, v2;
	v3 =	vand.u32 $0x7B80, v18  }
0xa2: {  	v21 =	vld [tilespmem:s13+$0x0];
	v18 =	vor.u32 v1, v8;
	v8 =	vand.u32 $0x7F, v8;
	v22 =	vor.u32 v1, v11  }
0xa3: {  	v11 =	vand.u32 $0x7F, v11;
	v6 =	vor.u32 v12, v6;
	v12 =	vld [tilespmem:s13+$0x4070];
	v16 =	vand.u32 $0x7B80, v18  }
0xa4: {  	v8 =	vor.u32 v8, v17;
	v7 =	vor.u32 v3, v9;
	v9 =	vld [tilespmem:s13+$0x10];
	v20 =	vand.u32 $0x7B80, v22  }
0xa5: {  	v11 =	vor.u32 v11, v14;
	v14 =	vand.u32 $0x7B80, v23;
	v22 =	vor.u32 v13, v4;
	v13 =	vld [tilespmem:s13+$0x4000]  }
0xa6: {  	v6 =	vor.u32 v19, v6;
	v3 =	vor.u32 v16, v8;
	v8 =	vld [tilespmem:s13+$0x20];
	v5 =	vor.u32 v20, v11  }
0xa7: {  	v4 =	vor.u32 v14, v15;
	v11 =	vld [tilespmem:s13+$0x4010];
	v10 =	vshrl.u32 v10, $0x16;
	v16 =	vshrl.u32 v21, $0x16  }
0xa8: {  	v19 =	vld [tilespmem:s13+$0x30];
	v15 =	vor.u32 v1, v10;
	v10 =	vand.u32 $0x7F, v10;
	v20 =	vor.u32 v1, v16  }
0xa9: {  	v14 =	vld [tilespmem:s13+$0x4020];
	v17 =	vand.u32 $0x7F, v16;
	v12 =	vshrl.u32 v12, $0xD;
	v15 =	vand.u32 $0x7B80, v15  }
0xaa: {  	v23 =	vld [tilespmem:s13+$0x40];
	v9 =	vshrl.u32 v9, $0x16;
	v20 =	vand.u32 $0x7B80, v20;
	v12 =	vand.u32 $0x400, v12  }
0xab: {  	v21 =	vor.u32 v1, v9;
	v10 =	vor.u32 v10, v12;
	v12 =	vshrl.u32 v13, $0xD;
	v13 =	vld [tilespmem:s13+$0x4030]  }
0xac: {  	v16 =	vld [tilespmem:s13+$0x4040];
	v18 =	vand.u32 $0x7F, v9;
	v11 =	vshrl.u32 v11, $0xD;
	v15 =	vor.u32 v15, v10  }
0xad: {  	v27 =	vld [tilespmem:s13+$0x50];
	v19 =	vshrl.u32 v19, $0x16;
	v10 =	vand.u32 $0x400, v12;
	v11 =	vand.u32 $0x400, v11  }
0xae: {  	v29 =	vld [tilespmem:s13+$0x4050];
	v12 =	vshrl.u32 v8, $0x16;
	v8 =	vshrl.u32 v14, $0xD;
	v14 =	vor.u32 v1, v19  }
0xaf: {  	v25 =	vld [tilespmem:s13+$0x60];
	v8 =	vand.u32 $0x400, v8;
	v24 =	vor.u32 v1, v12;
	v12 =	vand.u32 $0x7F, v12  }
0xb0: {  	v26 =	vld [tilespmem:s13+$0x4060];
	v9 =	vshrl.u32 v13, $0xD;
	v13 =	vand.u32 $0x7F, v19;
	v19 =	vshrl.u32 v23, $0x16  }
0xb1: {  	v23 =	vshrl.u32 v16, $0xD;
	[tilespmem:v15+s2+$0x0] =	vst.idx.add.f32.msk $0xffff, v2;
	v9 =	vand.u32 $0x400, v9;
	v15 =	vor.u32 v1, v19  }
0xb2: {  	[tilespmem:v28+s2+$0x0] =	vst.idx.add.f32.msk $0xffff, v2;
	v16 =	vand.u32 $0x7F, v19;
	v19 =	vand.u32 $0x400, v23;
	v23 =	vshrl.u32 v27, $0x16  }
0xb3: {  	[tilespmem:v22+s2+$0x0] =	vst.idx.add.f32.msk $0xffff, v2;
	s13 =	simm.s32 $0x8;
	v27 =	vshrl.u32 v29, $0xD;
	v22 =	vor.u32 v1, v23;
	v23 =	vand.u32 $0x7F, v23  }
.LBB2_5:
0xb4: {  	s13 =	sadd.s32 $0x8, s13;
	v10 =	vor.u32 v17, v10;
	v17 =	vand.u32 $0x7B80, v21;
	v21 =	vand.u32 $0x400, v27;
	[tilespmem:v7+s2+$0x0] =	vst.idx.add.f32.msk $0xffff, v2  }
0xb5: {  	v7 =	vor.u32 v18, v11;
	v11 =	vand.u32 $0x7B80, v24;
	s12 =	sadd.s32 $0x400, s12;
	s14 =	sshll.u32 s13, $0x4;
	p0 =	slt.u32 s13, $0x1F8;
	v18 =	vshrl.u32 v25, $0x16;
	[tilespmem:v6+s2+$0x0] =	vst.idx.add.f32.msk $0xffff, v2  }
0xb6: {  	s15 =	sand.u32 $0xC00, s12;
	s16 =	sshll.u32 s13, $0x2;
	s14 =	sand.u32 $0x1000, s14;
	v6 =	vshrl.u32 v26, $0xD;
	v24 =	vor.u32 v1, v18;
	v18 =	vand.u32 $0x7F, v18;
	[tilespmem:v5+s2+$0x0] =	vst.idx.add.f32.msk $0xffff, v2  }
0xb7: {  	v5 =	vor.u32 v12, v8;
	v8 =	vand.u32 $0x7B80, v14;
	s14 =	sor.u32 s15, s14;
	s15 =	sand.u32 $0x380, s16;
	v6 =	vand.u32 $0x400, v6;
	[tilespmem:v4+s2+$0x0] =	vst.idx.add.f32.msk $0xffff, v2  }
0xb8: {  	v12 =	vor.u32 v16, v19;
	v4 =	vor.u32 v13, v9;
	v9 =	vand.u32 $0x7B80, v15;
	s14 =	sor.u32 s15, s14;
	[tilespmem:v3+s2+$0x0] =	vst.idx.add.f32.msk $0xffff, v2  }
0xb9: {  	v14 =	vor.u32 v23, v21;
	v15 =	vand.u32 $0x7B80, v24;
	v3 =	vand.u32 $0x7B80, v22;
	v13 =	vld [tilespmem:s14+$0x70]  }
0xba: {  	v28 =	vor.u32 v17, v7;
	v22 =	vor.u32 v20, v10;
	v10 =	vor.u32 v18, v6;
	v16 =	vld [tilespmem:s14+$0x4070]  }
0xbb: {  	v7 =	vor.u32 v11, v5;
	v6 =	vor.u32 v8, v4;
	v5 =	vor.u32 v9, v12;
	v17 =	vld [tilespmem:s14+$0x0]  }
0xbc: {  	v4 =	vor.u32 v3, v14;
	v3 =	vor.u32 v15, v10;
	v8 =	vld [tilespmem:s14+$0x4000]  }
0xbd: {  	v9 =	vld [tilespmem:s14+$0x10]  }
0xbe: {  	v11 =	vld [tilespmem:s14+$0x4010]  }
0xbf: {  	v10 =	vshrl.u32 v13, $0x16;
	v12 =	vld [tilespmem:s14+$0x20];
	v13 =	vshrl.u32 v16, $0xD  }
0xc0: {  	v15 =	vor.u32 v1, v10;
	v10 =	vand.u32 $0x7F, v10;
	v14 =	vld [tilespmem:s14+$0x4020];
	v13 =	vand.u32 $0x400, v13  }
0xc1: {  	v16 =	vshrl.u32 v17, $0x16;
	v15 =	vand.u32 $0x7B80, v15;
	v19 =	vld [tilespmem:s14+$0x30];
	v10 =	vor.u32 v10, v13  }
0xc2: {  	v8 =	vshrl.u32 v8, $0xD;
	v9 =	vshrl.u32 v9, $0x16;
	v13 =	vld [tilespmem:s14+$0x4030];
	v15 =	vor.u32 v15, v10  }
0xc3: {  	v20 =	vor.u32 v1, v16;
	v10 =	vand.u32 $0x400, v8;
	v8 =	vshrl.u32 v11, $0xD;
	v23 =	vld [tilespmem:s14+$0x40]  }
0xc4: {  	v17 =	vand.u32 $0x7F, v16;
	v11 =	vand.u32 $0x400, v8;
	v12 =	vshrl.u32 v12, $0x16;
	v16 =	vld [tilespmem:s14+$0x4040]  }
0xc5: {  	v21 =	vor.u32 v1, v9;
	v18 =	vand.u32 $0x7F, v9;
	v8 =	vshrl.u32 v14, $0xD;
	v27 =	vld [tilespmem:s14+$0x50]  }
0xc6: {  	v24 =	vor.u32 v1, v12;
	v8 =	vand.u32 $0x400, v8;
	v19 =	vshrl.u32 v19, $0x16;
	v29 =	vld [tilespmem:s14+$0x4050]  }
.Ltmp3:
0xc7: {  	v12 =	vand.u32 $0x7F, v12;
	v9 =	vshrl.u32 v13, $0xD;
	v14 =	vor.u32 v1, v19;
	[tilespmem:v15+s2+$0x0] =	vst.idx.add.f32.msk $0xffff, v2;
	(pc) =	sbr.rel @p0 .LBB2_5-.Ltmp3, $4  }
0xc8: {  	v13 =	vand.u32 $0x7F, v19;
	v9 =	vand.u32 $0x400, v9;
	v19 =	vshrl.u32 v23, $0x16;
	v25 =	vld [tilespmem:s14+$0x60]  }
0xc9: {  	v23 =	vshrl.u32 v16, $0xD;
	v15 =	vor.u32 v1, v19;
	v16 =	vand.u32 $0x7F, v19;
	v26 =	vld [tilespmem:s14+$0x4060]  }
0xca: {  	v20 =	vand.u32 $0x7B80, v20;
	v19 =	vand.u32 $0x400, v23;
	v23 =	vshrl.u32 v27, $0x16;
	[tilespmem:v22+s2+$0x0] =	vst.idx.add.f32.msk $0xffff, v2  }
0xcb: {  	v27 =	vshrl.u32 v29, $0xD;
	v22 =	vor.u32 v1, v23;
	v23 =	vand.u32 $0x7F, v23;
	[tilespmem:v28+s2+$0x0] =	vst.idx.add.f32.msk $0xffff, v2  }
0xcc: {  	_ =	sdelay $0x1  }
0xcd: {  	v10 =	vor.u32 v17, v10  }
0xce: {  	v17 =	vand.u32 $0x7B80, v21;
	v21 =	vand.u32 $0x400, v27;
	v11 =	vor.u32 v18, v11  }
0xcf: {  	v18 =	vand.u32 $0x7B80, v24;
	[tilespmem:v6+s2+$0x0] =	vst.idx.add.f32.msk $0xffff, v2;
	v6 =	vor.u32 v12, v8;
	v8 =	vand.u32 $0x7B80, v14  }
0xd0: {  	v9 =	vor.u32 v13, v9;
	[tilespmem:v4+s2+$0x0] =	vst.idx.add.f32.msk $0xffff, v2;
	v4 =	vand.u32 $0x7B80, v15;
	v10 =	vor.u32 v20, v10  }
0xd1: {  	v12 =	vor.u32 v16, v19;
	[tilespmem:v3+s2+$0x0] =	vst.idx.add.f32.msk $0xffff, v2;
	v3 =	vand.u32 $0x7B80, v22;
	v11 =	vor.u32 v17, v11  }
0xd2: {  	v24 =	vshrl.u32 v25, $0x16;
	v6 =	vor.u32 v18, v6;
	v8 =	vor.u32 v8, v9  }
0xd3: {  	[tilespmem:v7+s2+$0x0] =	vst.idx.add.f32.msk $0xffff, v2;
	v9 =	vor.u32 v23, v21;
	v4 =	vor.u32 v4, v12;
	v25 =	vshrl.u32 v26, $0xD  }
0xd4: {  	[tilespmem:v5+s2+$0x0] =	vst.idx.add.f32.msk $0xffff, v2;
	v7 =	vor.u32 v1, v24;
	v24 =	vand.u32 $0x7F, v24;
	v5 =	vand.u32 $0x400, v25  }
0xd5: {  	v3 =	vor.u32 v3, v9;
	v7 =	vand.u32 $0x7B80, v7;
	v5 =	vor.u32 v24, v5;
	[tilespmem:v10+s2+$0x0] =	vst.idx.add.f32.msk $0xffff, v2  }
0xd6: {  	v5 =	vor.u32 v7, v5;
	[tilespmem:v11+s2+$0x0] =	vst.idx.add.f32.msk $0xffff, v2  }
0xd7: {  	[tilespmem:v6+s2+$0x0] =	vst.idx.add.f32.msk $0xffff, v2  }
0xd8: {  	s12 =	sshll.u32 s11, $0x1;
	p0 =	seq.s32 s11, $0x7;
	[tilespmem:v8+s2+$0x0] =	vst.idx.add.f32.msk $0xffff, v2  }
0xd9: {  	s13 =	sadd.s32 @!p0 s12, s9;
	[tilespmem:v4+s2+$0x0] =	vst.idx.add.f32.msk $0xffff, v2  }
0xda: {  	s13 =	sshll.u32 @!p0 s13, $0xA;
	[tilespmem:v3+s2+$0x0] =	vst.idx.add.f32.msk $0xffff, v2  }
0xdb: {  	s15 =	simm.s32 @!p0 $0x0;
	s14 =	sadd.s32 @!p0 s1, s13;
	[tilespmem:v5+s2+$0x0] =	vst.idx.add.f32.msk $0xffff, v2  }
0xdc: {  	[tilespmem:s15], [sflag:$0x1] =	stream.linear.gather @!p0 [hbm4b:s14+s15], $0x2000, $0x38;
	[tilespmem:$0x10000] =	vst v63  }
0xdd: {  	s13 =	sadd.s32 @!p0 s3, s13;
	s14 =	simm.s32 @!p0 $0x4000  }
0xde: {  	[tilespmem:s14], [sflag:$0x1] =	stream.linear.gather @!p0 [hbm4b:s13+s15], $0x2000, $0x38;
	[tilespmem:$0x10000] =	vst v63  }
0xdf: {  	_ =	swait.ge [sflag:s29], $0x2000  }
0xe0: {  	s16 =	simm.s32 $0x0;
	[sflag:s29] =	ssyncset.done $0x0  }
0xe1: {  	s17 =	simm.s32 $0x0;
	s15 =	simm.s32 $0x0;
	[sflag:s29] =	ssyncadd.s32 $0xFFFFE000  }
0xe2: {  	s14 =	sand.u32 $0x1000, s16;
	s13 =	sand.u32 $0xC00, s15;
	_ =	swait.ge [sflag:s29], $0x2000  }
0xe3: {  	s15 =	sand.u32 $0x380, s17;
	s13 =	sor.u32 s13, s14;
	[sflag:s29] =	ssyncset.done $0x0  }
0xe4: {  	s13 =	sor.u32 s15, s13;
	[sflag:s29] =	ssyncadd.s32 $0xFFFFE000  }
0xe5: {  	v3 =	vld [tilespmem:s13+$0x2070]  }
0xe6: {  	v4 =	vld [tilespmem:s13+$0x6070]  }
0xe7: {  	v5 =	vld [tilespmem:s13+$0x2000]  }
0xe8: {  	v7 =	vld [tilespmem:s13+$0x2010]  }
0xe9: {  	v8 =	vld [tilespmem:s13+$0x6010]  }
0xea: {  	v9 =	vld [tilespmem:s13+$0x2020]  }
0xeb: {  	v10 =	vld [tilespmem:s13+$0x6020]  }
0xec: {  	v12 =	vld [tilespmem:s13+$0x2030]  }
0xed: {  	v14 =	vld [tilespmem:s13+$0x6040]  }
0xee: {  	v15 =	vld [tilespmem:s13+$0x2050]  }
0xef: {  	v17 =	vld [tilespmem:s13+$0x6050];
	_ =	sdelay $0x1  }
0xf0: {  	v4 =	vshrl.u32 v4, $0xD;
	v3 =	vshrl.u32 v3, $0x16;
	v5 =	vshrl.u32 v5, $0x16  }
0xf1: {  	v7 =	vshrl.u32 v7, $0x16;
	v8 =	vshrl.u32 v8, $0xD;
	v9 =	vshrl.u32 v9, $0x16  }
0xf2: {  	v10 =	vshrl.u32 v10, $0xD;
	v12 =	vshrl.u32 v12, $0x16;
	v14 =	vshrl.u32 v14, $0xD  }
0xf3: {  	v15 =	vshrl.u32 v15, $0x16;
	v17 =	vshrl.u32 v17, $0xD;
	v4 =	vand.u32 $0x400, v4  }
0xf4: {  	v6 =	vld [tilespmem:s13+$0x6000];
	v11 =	vor.u32 v1, v3;
	v3 =	vand.u32 $0x7F, v3;
	v13 =	vor.u32 v1, v5  }
0xf5: {  	v5 =	vand.u32 $0x7F, v5;
	v8 =	vand.u32 $0x400, v8;
	v16 =	vor.u32 v1, v7  }
0xf6: {  	v20 =	vld [tilespmem:s13+$0x2060];
	v7 =	vand.u32 $0x7F, v7;
	v10 =	vand.u32 $0x400, v10;
	v18 =	vor.u32 v1, v9  }
0xf7: {  	v21 =	vld [tilespmem:s13+$0x6060];
	v9 =	vand.u32 $0x7F, v9;
	v19 =	vor.u32 v1, v12;
	v12 =	vand.u32 $0x7F, v12  }
0xf8: {  	v14 =	vand.u32 $0x400, v14;
	v23 =	vor.u32 v1, v15;
	v15 =	vand.u32 $0x7F, v15  }
0xf9: {  	v11 =	vand.u32 $0x7B80, v11;
	v3 =	vor.u32 v3, v4;
	v4 =	vshrl.u32 v6, $0xD;
	v6 =	vld [tilespmem:s13+$0x6030]  }
0xfa: {  	s16 =	simm.s32 $0x80;
	v13 =	vand.u32 $0x7B80, v13;
	v3 =	vor.u32 v11, v3;
	v4 =	vand.u32 $0x400, v4;
	v11 =	vld [tilespmem:s13+$0x2040];
	s13 =	simm.s32 $0x400  }
0xfb: {  	s14 =	sand.u32 $0x1000, s16;
	s16 =	simm.s32 $0x20;
	v7 =	vor.u32 v7, v8;
	v8 =	vshrl.u32 v20, $0x16;
	v4 =	vor.u32 v5, v4;
	s17 =	sand.u32 $0xC00, s13  }
0xfc: {  	v5 =	vand.u32 $0x7B80, v16;
	v16 =	vand.u32 $0x400, v17;
	v17 =	vshrl.u32 v21, $0xD;
	s14 =	sor.u32 s17, s14;
	s17 =	sand.u32 $0x380, s16  }
0xfd: {  	v9 =	vor.u32 v9, v10;
	v19 =	vand.u32 $0x7B80, v19;
	v17 =	vand.u32 $0x400, v17;
	s14 =	sor.u32 s17, s14  }
0xfe: {  	v15 =	vor.u32 v15, v16;
	v28 =	vor.u32 v5, v7;
	v6 =	vshrl.u32 v6, $0xD;
	v10 =	vld [tilespmem:s14+$0x2070]  }
0xff: {  	v6 =	vand.u32 $0x400, v6;
	v11 =	vshrl.u32 v11, $0x16;
	[tilespmem:v3+s2+$0x0] =	vst.idx.add.f32.msk $0xffff, v2;
	v3 =	vand.u32 $0x7B80, v18  }
0x100: {  	v21 =	vld [tilespmem:s14+$0x2000];
	v18 =	vor.u32 v1, v8;
	v8 =	vand.u32 $0x7F, v8;
	v22 =	vor.u32 v1, v11  }
0x101: {  	v11 =	vand.u32 $0x7F, v11;
	v6 =	vor.u32 v12, v6;
	v12 =	vld [tilespmem:s14+$0x6070];
	v16 =	vand.u32 $0x7B80, v18  }
0x102: {  	v8 =	vor.u32 v8, v17;
	v7 =	vor.u32 v3, v9;
	v9 =	vld [tilespmem:s14+$0x2010];
	v20 =	vand.u32 $0x7B80, v22  }
0x103: {  	v11 =	vor.u32 v11, v14;
	v14 =	vand.u32 $0x7B80, v23;
	v22 =	vor.u32 v13, v4;
	v13 =	vld [tilespmem:s14+$0x6000]  }
0x104: {  	v6 =	vor.u32 v19, v6;
	v3 =	vor.u32 v16, v8;
	v8 =	vld [tilespmem:s14+$0x2020];
	v5 =	vor.u32 v20, v11  }
0x105: {  	v4 =	vor.u32 v14, v15;
	v11 =	vld [tilespmem:s14+$0x6010];
	v10 =	vshrl.u32 v10, $0x16;
	v16 =	vshrl.u32 v21, $0x16  }
0x106: {  	v19 =	vld [tilespmem:s14+$0x2030];
	v15 =	vor.u32 v1, v10;
	v10 =	vand.u32 $0x7F, v10;
	v20 =	vor.u32 v1, v16  }
0x107: {  	v14 =	vld [tilespmem:s14+$0x6020];
	v17 =	vand.u32 $0x7F, v16;
	v12 =	vshrl.u32 v12, $0xD;
	v15 =	vand.u32 $0x7B80, v15  }
0x108: {  	v23 =	vld [tilespmem:s14+$0x2040];
	v9 =	vshrl.u32 v9, $0x16;
	v20 =	vand.u32 $0x7B80, v20;
	v12 =	vand.u32 $0x400, v12  }
0x109: {  	v21 =	vor.u32 v1, v9;
	v10 =	vor.u32 v10, v12;
	v12 =	vshrl.u32 v13, $0xD;
	v13 =	vld [tilespmem:s14+$0x6030]  }
0x10a: {  	v16 =	vld [tilespmem:s14+$0x6040];
	v18 =	vand.u32 $0x7F, v9;
	v11 =	vshrl.u32 v11, $0xD;
	v15 =	vor.u32 v15, v10  }
0x10b: {  	v27 =	vld [tilespmem:s14+$0x2050];
	v19 =	vshrl.u32 v19, $0x16;
	v10 =	vand.u32 $0x400, v12;
	v11 =	vand.u32 $0x400, v11  }
0x10c: {  	v29 =	vld [tilespmem:s14+$0x6050];
	v12 =	vshrl.u32 v8, $0x16;
	v8 =	vshrl.u32 v14, $0xD;
	v14 =	vor.u32 v1, v19  }
0x10d: {  	v25 =	vld [tilespmem:s14+$0x2060];
	v8 =	vand.u32 $0x400, v8;
	v24 =	vor.u32 v1, v12;
	v12 =	vand.u32 $0x7F, v12  }
0x10e: {  	v26 =	vld [tilespmem:s14+$0x6060];
	v9 =	vshrl.u32 v13, $0xD;
	v13 =	vand.u32 $0x7F, v19;
	v19 =	vshrl.u32 v23, $0x16  }
0x10f: {  	v23 =	vshrl.u32 v16, $0xD;
	[tilespmem:v15+s2+$0x0] =	vst.idx.add.f32.msk $0xffff, v2;
	v9 =	vand.u32 $0x400, v9;
	v15 =	vor.u32 v1, v19  }
0x110: {  	[tilespmem:v28+s2+$0x0] =	vst.idx.add.f32.msk $0xffff, v2;
	v16 =	vand.u32 $0x7F, v19;
	v19 =	vand.u32 $0x400, v23;
	v23 =	vshrl.u32 v27, $0x16  }
0x111: {  	[tilespmem:v22+s2+$0x0] =	vst.idx.add.f32.msk $0xffff, v2;
	s14 =	simm.s32 $0x8;
	v27 =	vshrl.u32 v29, $0xD;
	v22 =	vor.u32 v1, v23;
	v23 =	vand.u32 $0x7F, v23  }
.LBB2_7:
0x112: {  	s14 =	sadd.s32 $0x8, s14;
	v10 =	vor.u32 v17, v10;
	v17 =	vand.u32 $0x7B80, v21;
	v21 =	vand.u32 $0x400, v27;
	[tilespmem:v7+s2+$0x0] =	vst.idx.add.f32.msk $0xffff, v2  }
0x113: {  	v7 =	vor.u32 v18, v11;
	v11 =	vand.u32 $0x7B80, v24;
	s13 =	sadd.s32 $0x400, s13;
	s15 =	sshll.u32 s14, $0x4;
	p1 =	slt.u32 s14, $0x1F8;
	v18 =	vshrl.u32 v25, $0x16;
	[tilespmem:v6+s2+$0x0] =	vst.idx.add.f32.msk $0xffff, v2  }
0x114: {  	s16 =	sand.u32 $0xC00, s13;
	s17 =	sshll.u32 s14, $0x2;
	s15 =	sand.u32 $0x1000, s15;
	v6 =	vshrl.u32 v26, $0xD;
	v24 =	vor.u32 v1, v18;
	v18 =	vand.u32 $0x7F, v18;
	[tilespmem:v5+s2+$0x0] =	vst.idx.add.f32.msk $0xffff, v2  }
0x115: {  	v5 =	vor.u32 v12, v8;
	v8 =	vand.u32 $0x7B80, v14;
	s15 =	sor.u32 s16, s15;
	s16 =	sand.u32 $0x380, s17;
	v6 =	vand.u32 $0x400, v6;
	[tilespmem:v4+s2+$0x0] =	vst.idx.add.f32.msk $0xffff, v2  }
0x116: {  	v12 =	vor.u32 v16, v19;
	v4 =	vor.u32 v13, v9;
	v9 =	vand.u32 $0x7B80, v15;
	s15 =	sor.u32 s16, s15;
	[tilespmem:v3+s2+$0x0] =	vst.idx.add.f32.msk $0xffff, v2  }
0x117: {  	v14 =	vor.u32 v23, v21;
	v15 =	vand.u32 $0x7B80, v24;
	v3 =	vand.u32 $0x7B80, v22;
	v13 =	vld [tilespmem:s15+$0x2070]  }
0x118: {  	v28 =	vor.u32 v17, v7;
	v22 =	vor.u32 v20, v10;
	v10 =	vor.u32 v18, v6;
	v16 =	vld [tilespmem:s15+$0x6070]  }
0x119: {  	v7 =	vor.u32 v11, v5;
	v6 =	vor.u32 v8, v4;
	v5 =	vor.u32 v9, v12;
	v17 =	vld [tilespmem:s15+$0x2000]  }
0x11a: {  	v4 =	vor.u32 v3, v14;
	v3 =	vor.u32 v15, v10;
	v8 =	vld [tilespmem:s15+$0x6000]  }
0x11b: {  	v9 =	vld [tilespmem:s15+$0x2010]  }
0x11c: {  	v11 =	vld [tilespmem:s15+$0x6010]  }
0x11d: {  	v10 =	vshrl.u32 v13, $0x16;
	v12 =	vld [tilespmem:s15+$0x2020];
	v13 =	vshrl.u32 v16, $0xD  }
0x11e: {  	v15 =	vor.u32 v1, v10;
	v10 =	vand.u32 $0x7F, v10;
	v14 =	vld [tilespmem:s15+$0x6020];
	v13 =	vand.u32 $0x400, v13  }
0x11f: {  	v16 =	vshrl.u32 v17, $0x16;
	v15 =	vand.u32 $0x7B80, v15;
	v19 =	vld [tilespmem:s15+$0x2030];
	v10 =	vor.u32 v10, v13  }
0x120: {  	v8 =	vshrl.u32 v8, $0xD;
	v9 =	vshrl.u32 v9, $0x16;
	v13 =	vld [tilespmem:s15+$0x6030];
	v15 =	vor.u32 v15, v10  }
0x121: {  	v20 =	vor.u32 v1, v16;
	v10 =	vand.u32 $0x400, v8;
	v8 =	vshrl.u32 v11, $0xD;
	v23 =	vld [tilespmem:s15+$0x2040]  }
0x122: {  	v17 =	vand.u32 $0x7F, v16;
	v11 =	vand.u32 $0x400, v8;
	v12 =	vshrl.u32 v12, $0x16;
	v16 =	vld [tilespmem:s15+$0x6040]  }
0x123: {  	v21 =	vor.u32 v1, v9;
	v18 =	vand.u32 $0x7F, v9;
	v8 =	vshrl.u32 v14, $0xD;
	v27 =	vld [tilespmem:s15+$0x2050]  }
0x124: {  	v24 =	vor.u32 v1, v12;
	v8 =	vand.u32 $0x400, v8;
	v19 =	vshrl.u32 v19, $0x16;
	v29 =	vld [tilespmem:s15+$0x6050]  }
.Ltmp4:
0x125: {  	v12 =	vand.u32 $0x7F, v12;
	v9 =	vshrl.u32 v13, $0xD;
	v14 =	vor.u32 v1, v19;
	[tilespmem:v15+s2+$0x0] =	vst.idx.add.f32.msk $0xffff, v2;
	(pc) =	sbr.rel @p1 .LBB2_7-.Ltmp4, $4  }
0x126: {  	v13 =	vand.u32 $0x7F, v19;
	v9 =	vand.u32 $0x400, v9;
	v19 =	vshrl.u32 v23, $0x16;
	v25 =	vld [tilespmem:s15+$0x2060]  }
0x127: {  	v23 =	vshrl.u32 v16, $0xD;
	v15 =	vor.u32 v1, v19;
	v16 =	vand.u32 $0x7F, v19;
	v26 =	vld [tilespmem:s15+$0x6060]  }
0x128: {  	v20 =	vand.u32 $0x7B80, v20;
	v19 =	vand.u32 $0x400, v23;
	v23 =	vshrl.u32 v27, $0x16;
	[tilespmem:v22+s2+$0x0] =	vst.idx.add.f32.msk $0xffff, v2  }
0x129: {  	v27 =	vshrl.u32 v29, $0xD;
	v22 =	vor.u32 v1, v23;
	v23 =	vand.u32 $0x7F, v23;
	[tilespmem:v28+s2+$0x0] =	vst.idx.add.f32.msk $0xffff, v2  }
0x12a: {  	_ = 	snop  }
0x12b: {  	v10 =	vor.u32 v17, v10  }
0x12c: {  	v52 =	vand.u32 $0x7B80, v21;
	v53 =	vand.u32 $0x400, v27;
	v11 =	vor.u32 v18, v11  }
0x12d: {  	v54 =	vand.u32 $0x7B80, v24;
	v58 =	vor.u32 v12, v8;
	v59 =	vand.u32 $0x7B80, v14  }
0x12e: {  	[tilespmem:v7+s2+$0x0] =	vst.idx.add.f32.msk $0xffff, v2;
	v9 =	vor.u32 v13, v9;
	v61 =	vand.u32 $0x7B80, v15;
	v10 =	vor.u32 v20, v10  }
0x12f: {  	v62 =	vor.u32 v16, v19;
	[tilespmem:v3+s2+$0x0] =	vst.idx.add.f32.msk $0xffff, v2;
	v3 =	vand.u32 $0x7B80, v22;
	v11 =	vor.u32 v52, v11  }
0x130: {  	[tilespmem:v6+s2+$0x0] =	vst.idx.add.f32.msk $0xffff, v2;
	v55 =	vshrl.u32 v25, $0x16;
	v6 =	vor.u32 v54, v58;
	v8 =	vor.u32 v59, v9  }
0x131: {  	[tilespmem:v4+s2+$0x0] =	vst.idx.add.f32.msk $0xffff, v2;
	v63 =	vor.u32 v23, v53;
	v4 =	vor.u32 v61, v62;
	v56 =	vshrl.u32 v26, $0xD  }
0x132: {  	[tilespmem:v5+s2+$0x0] =	vst.idx.add.f32.msk $0xffff, v2;
	v57 =	vor.u32 v1, v55;
	v24 =	vand.u32 $0x7F, v55;
	v60 =	vand.u32 $0x400, v56  }
0x133: {  	v3 =	vor.u32 v3, v63;
	v7 =	vand.u32 $0x7B80, v57;
	v5 =	vor.u32 v24, v60;
	[tilespmem:v10+s2+$0x0] =	vst.idx.add.f32.msk $0xffff, v2  }
0x134: {  	v5 =	vor.u32 v7, v5;
	[tilespmem:v11+s2+$0x0] =	vst.idx.add.f32.msk $0xffff, v2  }
.Ltmp5:
0x135: {  	[tilespmem:v6+s2+$0x0] =	vst.idx.add.f32.msk $0xffff, v2;
	(pc) =	sbr.rel @p0 .LBB2_10-.Ltmp5, $4  }
0x136: {  	[tilespmem:v8+s2+$0x0] =	vst.idx.add.f32.msk $0xffff, v2  }
0x137: {  	[tilespmem:v4+s2+$0x0] =	vst.idx.add.f32.msk $0xffff, v2  }
0x138: {  	[tilespmem:v3+s2+$0x0] =	vst.idx.add.f32.msk $0xffff, v2  }
0x139: {  	[tilespmem:v5+s2+$0x0] =	vst.idx.add.f32.msk $0xffff, v2  }
0x13a: {  	s12 =	sadd.s32 s12, s10  }
.Ltmp6:
0x13b: {  	s12 =	sshll.u32 s12, $0xA;
	(pc) =	sbr.rel .LBB2_4-.Ltmp6, $4  }
0x13c: {  	s13 =	sadd.s32 s1, s12  }
0x13d: {  	[tilespmem:s30], [sflag:$0x2] =	stream.linear.gather [hbm4b:s13+s4], $0x2000, $0x38;
	[tilespmem:$0x10000] =	vst v63  }
0x13e: {  	s11 =	sadd.s32 $0x1, s11;
	s12 =	sadd.s32 s3, s12  }
0x13f: {  	[tilespmem:s31], [sflag:$0x2] =	stream.linear.gather [hbm4b:s12+s4], $0x2000, $0x38;
	[tilespmem:$0x10000] =	vst v63  }
.LBB2_11:
0x140: {  	_ =	sfence.sel $0x180000  }
0x141: {  	[bflag:$0x0] =	sbarrier.arrive $0xFFFF  }
0x142: {  	_ =	strace $0x90000047  }
0x143: {  	s0 =	stileid.u32;
	[bflag:$0x2] =	sbarrier.arrive $0xFFFF  }
0x144: {  	p0 =	sne.s32 s0, $0x0;
	s0 =	rddreg [dreg:$0x3]  }
0x145: {  	s0 =	sadd.s32 @!p0 $0x100000, s0  }
0x146: {  	[sflag:s0] =	ssyncadd.tile.s32 @!p0 $0x1;
	_ =	shalt  }
.Lfunc_end2:
_tile_overlayer_lowered:
.L_overlay_start_2:
0x147: {  	(tag) =	ssettag $0x2  }
0x148: {  	s0 =	rddreg [dreg:$0x0];
	s2 =	stileid.u32  }
0x149: {  	s1 =	rddreg [dreg:$0x1];
	p0 =	sne.s32 s2, $0x0  }
0x14a: {  	s3 =	rddreg [dreg:$0x2];
	[bflag:$0x3] =	sbarrier.arrive $0xFFFF;
	s2 =	simm.s32 @!p0 $0x1C03  }
0x14b: {  	[timem:s3], [sflag:s2] =	dma.local @!p0 [hbm:s0], s1  }
0x14c: {  	s0 =	simm.s32 @!p0 $0x3  }
0x14d: {  	_ =	swait.ge @!p0 [sflag:s0], s1  }
0x14e: {  	s1 =	ssub.s32 @!p0 $0x0, s1;
	[sflag:s0] =	ssyncset.done @!p0 $0x0  }
0x14f: {  	[sflag:s0] =	ssyncadd.s32 @!p0 s1  }
0x150: {  	[bflag:$0x3] =	sbarrier.arrive $0xFFFF  }
0x151: {  	_ =	shalt  }

</sc_bundles>
